<compile_context>
chip_gen: v7x
topology: tpu7x:2x2x1
jax: 0.10.2.dev20260603
libtpu: 0.0.44.dev20260713+nightly
codegen_flags: <defaults>
</compile_context>

<pallas_src>
import functools

import jax
import jax.numpy as jnp
from jax import lax
from jax.experimental import pallas as pl
from jax.experimental.pallas import tpu as pltpu
from jax.experimental.pallas import tpu_sc as plsc

VOCAB = 1000000
EMB = 64
B = 4096
L = 50

GRANULE = 128
N_GRAN = (B * L) // GRANULE
NW = 32
G_PER_W = N_GRAN // NW
K = 5
N_GROUP = G_PER_W // K
GROUP_ROWS = K * GRANULE


def _make_gather():
    mesh = plsc.VectorSubcoreMesh(core_axis_name="c", subcore_axis_name="s")

    @functools.partial(
        pl.kernel,
        mesh=mesh,
        out_type=jax.ShapeDtypeStruct((B * L, EMB), jnp.float32),
        scratch_types=[
            pltpu.VMEM((G_PER_W, GRANULE), jnp.int32),
            pltpu.VMEM((2 * GROUP_ROWS, EMB), jnp.float32),
            pltpu.SemaphoreType.DMA,
            pltpu.SemaphoreType.DMA,
            pltpu.SemaphoreType.DMA,
        ],
        compiler_params=pltpu.CompilerParams(use_tc_tiling_on_sc=False),
    )
    def gather_kernel(idx_hbm, table_hbm, out_hbm, idx_v, rows_v, gsem, ssa, ssb):
        wid = lax.axis_index("s") * 2 + lax.axis_index("c")
        gbase = wid * G_PER_W
        pltpu.sync_copy(idx_hbm.at[wid], idx_v)

        def fire_gathers(g, set_):
            for j in range(K):
                pltpu.async_copy(
                    table_hbm.at[idx_v.at[g * K + j]],
                    rows_v.at[pl.ds((set_ * K + j) * GRANULE, GRANULE)],
                    gsem,
                )

        def wait_gathers(set_):
            pltpu.make_async_copy(
                out_hbm.at[pl.ds(0, GROUP_ROWS)],
                rows_v.at[pl.ds(set_ * GROUP_ROWS, GROUP_ROWS)],
                gsem,
            ).wait()

        def fire_store(g, set_, ssem):
            pltpu.async_copy(
                rows_v.at[pl.ds(set_ * GROUP_ROWS, GROUP_ROWS)],
                out_hbm.at[pl.ds((gbase + g * K) * GRANULE, GROUP_ROWS)],
                ssem,
            )

        def wait_store(g, set_, ssem):
            pltpu.make_async_copy(
                rows_v.at[pl.ds(set_ * GROUP_ROWS, GROUP_ROWS)],
                out_hbm.at[pl.ds((gbase + g * K) * GRANULE, GROUP_ROWS)],
                ssem,
            ).wait()

        fire_gathers(0, 0)
        wait_gathers(0)
        fire_store(0, 0, ssa)
        fire_gathers(1, 1)

        def body(p, carry):
            ga = 2 * p + 1
            gb = 2 * p + 2
            wait_gathers(1)
            fire_store(ga, 1, ssb)
            wait_store(ga - 1, 0, ssa)
            fire_gathers(gb, 0)
            wait_gathers(0)
            fire_store(gb, 0, ssa)
            wait_store(ga, 1, ssb)
            fire_gathers(gb + 1, 1)
            return carry

        lax.fori_loop(0, (N_GROUP - 2) // 2, body, 0)

        g_last = N_GROUP - 1
        wait_gathers(1)
        fire_store(g_last, 1, ssb)
        wait_store(g_last - 1, 0, ssa)
        wait_store(g_last, 1, ssb)

    return gather_kernel


_gather = _make_gather()


def kernel(input_variable, table):
    idx = input_variable.reshape(NW, G_PER_W, GRANULE).astype(jnp.int32)
    out = _gather(idx, table)
    return out.reshape(B, L, EMB)

# --- scband reference (transcript-rebuilt; emitter-appended) ---
"""Pipeline reference for scband-embedding-layer-42674795053190 (READ-ONLY COPY).

The authoritative reference and input builder live on the scoring server;
editing this copy changes nothing except your own understanding.
"""

import jax, jax.numpy as jnp
import numpy as np

VOCAB = 1000000
EMB = 64
B = 4096
L = 50

def setup_inputs(seed: int = 0) -> dict:
    key = jax.random.key(seed)
    k_idx, k_tab = jax.random.split(key)
    input_variable = jax.random.randint(k_idx, (B, L), 0, VOCAB, dtype=jnp.int64 if jax.config.jax_enable_x64 else jnp.int32)
    table = jax.random.normal(k_tab, (VOCAB, EMB), dtype=jnp.float32)
    return {"input_variable": input_variable, "table": table}

def reference(input_variable, table):
    # nn.Embedding lookup
    embedded = jnp.take(table, input_variable, axis=0)
    # Dropout with p=0.0 (eval / no-op)
    return embedded

if __name__ == "__main__":
    import jax
    _d = setup_inputs()
    print(jax.jit(kernel)(*tuple(_d.values())))

</pallas_src>

<mosaic_0001>
#map = affine_map<(d0, d1) -> (0, 0, 0)>
#map1 = affine_map<(d0, d1) -> (0, 0)>
module attributes {stable_mosaic.version = 14 : i64} {
  func.func @gather_kernel(%arg0: i32, %arg1: i32, %arg2: memref<32x50x128xi32, #tpu.memory_space<hbm>>, %arg3: memref<1000000x64xf32, #tpu.memory_space<hbm>>, %arg4: memref<204800x64xf32, #tpu.memory_space<hbm>>, %arg5: memref<50x128xi32, #tpu.memory_space<vmem>>, %arg6: memref<1280x64xf32, #tpu.memory_space<vmem>>, %arg7: memref<!tpu.dma_semaphore, #tpu.memory_space<semaphore_mem>>, %arg8: memref<!tpu.dma_semaphore, #tpu.memory_space<semaphore_mem>>, %arg9: memref<!tpu.dma_semaphore, #tpu.memory_space<semaphore_mem>>) attributes {dimension_semantics = [#tpu.dimension_semantics<core_parallel>, #tpu.dimension_semantics<subcore_parallel>], iteration_bounds = array<i64: 2, 16>, scalar_prefetch = 0 : i64, scratch_operands = 5 : i64, tpu.core_type = #tpu.core_type<sc_vector_subcore>, window_params = [{transform_indices = #map}, {transform_indices = #map1}, {transform_indices = #map1}]} {
    %mul3A = arith.constant 2 : i32
    %mul3A_0 = arith.muli %arg1, %mul3A : i32
    %add3A = arith.addi %mul3A_0, %arg0 : i32
    %mul3A_1 = arith.constant 50 : i32
    %mul3A_2 = arith.muli %add3A, %mul3A_1 : i32
    "tpu.region"() ({
      %run_scoped3A = tpu.sem_alloc : memref<!tpu.dma_semaphore, #tpu.memory_space<semaphore_mem>>
      %dma_start3A_186 = arith.constant 0 : i32
      %dma_start3A_187 = arith.constant 0 : i32
      %dma_start3A_188 = tpu.memref_slice %arg2[%add3A, %dma_start3A_186, %dma_start3A_187] : memref<32x50x128xi32, #tpu.memory_space<hbm>> -> memref<1x50x128xi32, #tpu.memory_space<hbm>>
      %dma_start3A_189 = tpu.memref_squeeze %dma_start3A_188 : memref<1x50x128xi32, #tpu.memory_space<hbm>> -> memref<50x128xi32, #tpu.memory_space<hbm>>
      %dma_start3A_190 = arith.constant 0 : i32
      %dma_start3A_191 = arith.constant 0 : i32
      %dma_start3A_192 = tpu.memref_slice %arg2[%add3A, %dma_start3A_190, %dma_start3A_191] : memref<32x50x128xi32, #tpu.memory_space<hbm>> -> memref<1x50x128xi32, #tpu.memory_space<hbm>>
      %dma_start3A_193 = tpu.memref_squeeze %dma_start3A_192 : memref<1x50x128xi32, #tpu.memory_space<hbm>> -> memref<50x128xi32, #tpu.memory_space<hbm>>
      tpu.enqueue_dma source(%dma_start3A_193 : memref<50x128xi32, #tpu.memory_space<hbm>>) target(%arg5 : memref<50x128xi32, #tpu.memory_space<vmem>>) target_semaphore(%run_scoped3A : memref<!tpu.dma_semaphore, #tpu.memory_space<semaphore_mem>>)
      %dma_wait3A_194 = arith.constant 0 : i32
      %dma_wait3A_195 = arith.constant 0 : i32
      %dma_wait3A_196 = tpu.memref_slice %arg2[%add3A, %dma_wait3A_194, %dma_wait3A_195] : memref<32x50x128xi32, #tpu.memory_space<hbm>> -> memref<1x50x128xi32, #tpu.memory_space<hbm>>
      %dma_wait3A_197 = tpu.memref_squeeze %dma_wait3A_196 : memref<1x50x128xi32, #tpu.memory_space<hbm>> -> memref<50x128xi32, #tpu.memory_space<hbm>>
      %dma_wait3A_198 = arith.constant 0 : i32
      %dma_wait3A_199 = arith.constant 0 : i32
      %dma_wait3A_200 = tpu.memref_slice %arg2[%add3A, %dma_wait3A_198, %dma_wait3A_199] : memref<32x50x128xi32, #tpu.memory_space<hbm>> -> memref<1x50x128xi32, #tpu.memory_space<hbm>>
      %dma_wait3A_201 = tpu.memref_squeeze %dma_wait3A_200 : memref<1x50x128xi32, #tpu.memory_space<hbm>> -> memref<50x128xi32, #tpu.memory_space<hbm>>
      tpu.wait_dma2 semaphore(%run_scoped3A : memref<!tpu.dma_semaphore, #tpu.memory_space<semaphore_mem>>) src(%dma_wait3A_201 : memref<50x128xi32, #tpu.memory_space<hbm>>) dst(%arg5 : memref<50x128xi32, #tpu.memory_space<vmem>>)
      tpu.yield
    }) : () -> ()
    %dma_start3A = arith.constant 0 : i32
    %dma_start3A_3 = arith.constant 0 : i32
    %dma_start3A_4 = arith.constant 0 : i32
    %dma_start3A_5 = tpu.memref_slice %arg6[%dma_start3A_3, %dma_start3A_4] : memref<1280x64xf32, #tpu.memory_space<vmem>> -> memref<128x64xf32, #tpu.memory_space<vmem>>
    %dma_start3A_6 = arith.constant 0 : i32
    %dma_start3A_7 = tpu.memref_slice %arg5[%dma_start3A, %dma_start3A_6] : memref<50x128xi32, #tpu.memory_space<vmem>> -> memref<1x128xi32, #tpu.memory_space<vmem>>
    %dma_start3A_8 = tpu.memref_squeeze %dma_start3A_7 : memref<1x128xi32, #tpu.memory_space<vmem>> -> memref<128xi32, #tpu.memory_space<vmem>>
    %dma_start3A_9 = arith.constant 0 : i32
    %dma_start3A_10 = arith.constant 0 : i32
    %dma_start3A_11 = tpu.memref_slice %arg3[%dma_start3A_9, %dma_start3A_10] : memref<1000000x64xf32, #tpu.memory_space<hbm>> -> memref<1000000x64xf32, #tpu.memory_space<hbm>>
    tpu.enqueue_indirect_dma source(%dma_start3A_11 : memref<1000000x64xf32, #tpu.memory_space<hbm>>) target(%dma_start3A_5 : memref<128x64xf32, #tpu.memory_space<vmem>>) offsets(%dma_start3A_8 : memref<128xi32, #tpu.memory_space<vmem>>) semaphore(%arg7 : memref<!tpu.dma_semaphore, #tpu.memory_space<semaphore_mem>>)
    %dma_start3A_12 = arith.constant 1 : i32
    %dma_start3A_13 = arith.constant 128 : i32
    %dma_start3A_14 = arith.constant 0 : i32
    %dma_start3A_15 = tpu.memref_slice %arg6[%dma_start3A_13, %dma_start3A_14] : memref<1280x64xf32, #tpu.memory_space<vmem>> -> memref<128x64xf32, #tpu.memory_space<vmem>>
    %dma_start3A_16 = arith.constant 0 : i32
    %dma_start3A_17 = tpu.memref_slice %arg5[%dma_start3A_12, %dma_start3A_16] : memref<50x128xi32, #tpu.memory_space<vmem>> -> memref<1x128xi32, #tpu.memory_space<vmem>>
    %dma_start3A_18 = tpu.memref_squeeze %dma_start3A_17 : memref<1x128xi32, #tpu.memory_space<vmem>> -> memref<128xi32, #tpu.memory_space<vmem>>
    %dma_start3A_19 = arith.constant 0 : i32
    %dma_start3A_20 = arith.constant 0 : i32
    %dma_start3A_21 = tpu.memref_slice %arg3[%dma_start3A_19, %dma_start3A_20] : memref<1000000x64xf32, #tpu.memory_space<hbm>> -> memref<1000000x64xf32, #tpu.memory_space<hbm>>
    tpu.enqueue_indirect_dma source(%dma_start3A_21 : memref<1000000x64xf32, #tpu.memory_space<hbm>>) target(%dma_start3A_15 : memref<128x64xf32, #tpu.memory_space<vmem>>) offsets(%dma_start3A_18 : memref<128xi32, #tpu.memory_space<vmem>>) semaphore(%arg7 : memref<!tpu.dma_semaphore, #tpu.memory_space<semaphore_mem>>)
    %dma_start3A_22 = arith.constant 2 : i32
    %dma_start3A_23 = arith.constant 256 : i32
    %dma_start3A_24 = arith.constant 0 : i32
    %dma_start3A_25 = tpu.memref_slice %arg6[%dma_start3A_23, %dma_start3A_24] : memref<1280x64xf32, #tpu.memory_space<vmem>> -> memref<128x64xf32, #tpu.memory_space<vmem>>
    %dma_start3A_26 = arith.constant 0 : i32
    %dma_start3A_27 = tpu.memref_slice %arg5[%dma_start3A_22, %dma_start3A_26] : memref<50x128xi32, #tpu.memory_space<vmem>> -> memref<1x128xi32, #tpu.memory_space<vmem>>
    %dma_start3A_28 = tpu.memref_squeeze %dma_start3A_27 : memref<1x128xi32, #tpu.memory_space<vmem>> -> memref<128xi32, #tpu.memory_space<vmem>>
    %dma_start3A_29 = arith.constant 0 : i32
    %dma_start3A_30 = arith.constant 0 : i32
    %dma_start3A_31 = tpu.memref_slice %arg3[%dma_start3A_29, %dma_start3A_30] : memref<1000000x64xf32, #tpu.memory_space<hbm>> -> memref<1000000x64xf32, #tpu.memory_space<hbm>>
    tpu.enqueue_indirect_dma source(%dma_start3A_31 : memref<1000000x64xf32, #tpu.memory_space<hbm>>) target(%dma_start3A_25 : memref<128x64xf32, #tpu.memory_space<vmem>>) offsets(%dma_start3A_28 : memref<128xi32, #tpu.memory_space<vmem>>) semaphore(%arg7 : memref<!tpu.dma_semaphore, #tpu.memory_space<semaphore_mem>>)
    %dma_start3A_32 = arith.constant 3 : i32
    %dma_start3A_33 = arith.constant 384 : i32
    %dma_start3A_34 = arith.constant 0 : i32
    %dma_start3A_35 = tpu.memref_slice %arg6[%dma_start3A_33, %dma_start3A_34] : memref<1280x64xf32, #tpu.memory_space<vmem>> -> memref<128x64xf32, #tpu.memory_space<vmem>>
    %dma_start3A_36 = arith.constant 0 : i32
    %dma_start3A_37 = tpu.memref_slice %arg5[%dma_start3A_32, %dma_start3A_36] : memref<50x128xi32, #tpu.memory_space<vmem>> -> memref<1x128xi32, #tpu.memory_space<vmem>>
    %dma_start3A_38 = tpu.memref_squeeze %dma_start3A_37 : memref<1x128xi32, #tpu.memory_space<vmem>> -> memref<128xi32, #tpu.memory_space<vmem>>
    %dma_start3A_39 = arith.constant 0 : i32
    %dma_start3A_40 = arith.constant 0 : i32
    %dma_start3A_41 = tpu.memref_slice %arg3[%dma_start3A_39, %dma_start3A_40] : memref<1000000x64xf32, #tpu.memory_space<hbm>> -> memref<1000000x64xf32, #tpu.memory_space<hbm>>
    tpu.enqueue_indirect_dma source(%dma_start3A_41 : memref<1000000x64xf32, #tpu.memory_space<hbm>>) target(%dma_start3A_35 : memref<128x64xf32, #tpu.memory_space<vmem>>) offsets(%dma_start3A_38 : memref<128xi32, #tpu.memory_space<vmem>>) semaphore(%arg7 : memref<!tpu.dma_semaphore, #tpu.memory_space<semaphore_mem>>)
    %dma_start3A_42 = arith.constant 4 : i32
    %dma_start3A_43 = arith.constant 512 : i32
    %dma_start3A_44 = arith.constant 0 : i32
    %dma_start3A_45 = tpu.memref_slice %arg6[%dma_start3A_43, %dma_start3A_44] : memref<1280x64xf32, #tpu.memory_space<vmem>> -> memref<128x64xf32, #tpu.memory_space<vmem>>
    %dma_start3A_46 = arith.constant 0 : i32
    %dma_start3A_47 = tpu.memref_slice %arg5[%dma_start3A_42, %dma_start3A_46] : memref<50x128xi32, #tpu.memory_space<vmem>> -> memref<1x128xi32, #tpu.memory_space<vmem>>
    %dma_start3A_48 = tpu.memref_squeeze %dma_start3A_47 : memref<1x128xi32, #tpu.memory_space<vmem>> -> memref<128xi32, #tpu.memory_space<vmem>>
    %dma_start3A_49 = arith.constant 0 : i32
    %dma_start3A_50 = arith.constant 0 : i32
    %dma_start3A_51 = tpu.memref_slice %arg3[%dma_start3A_49, %dma_start3A_50] : memref<1000000x64xf32, #tpu.memory_space<hbm>> -> memref<1000000x64xf32, #tpu.memory_space<hbm>>
    tpu.enqueue_indirect_dma source(%dma_start3A_51 : memref<1000000x64xf32, #tpu.memory_space<hbm>>) target(%dma_start3A_45 : memref<128x64xf32, #tpu.memory_space<vmem>>) offsets(%dma_start3A_48 : memref<128xi32, #tpu.memory_space<vmem>>) semaphore(%arg7 : memref<!tpu.dma_semaphore, #tpu.memory_space<semaphore_mem>>)
    %dma_wait3A = arith.constant 0 : i32
    %dma_wait3A_52 = arith.constant 0 : i32
    %dma_wait3A_53 = tpu.memref_slice %arg6[%dma_wait3A, %dma_wait3A_52] : memref<1280x64xf32, #tpu.memory_space<vmem>> -> memref<640x64xf32, #tpu.memory_space<vmem>>
    %dma_wait3A_54 = arith.constant 0 : i32
    %dma_wait3A_55 = arith.constant 0 : i32
    %dma_wait3A_56 = tpu.memref_slice %arg4[%dma_wait3A_54, %dma_wait3A_55] : memref<204800x64xf32, #tpu.memory_space<hbm>> -> memref<640x64xf32, #tpu.memory_space<hbm>>
    %dma_wait3A_57 = arith.constant 0 : i32
    %dma_wait3A_58 = arith.constant 0 : i32
    %dma_wait3A_59 = tpu.memref_slice %arg6[%dma_wait3A_57, %dma_wait3A_58] : memref<1280x64xf32, #tpu.memory_space<vmem>> -> memref<640x64xf32, #tpu.memory_space<vmem>>
    %dma_wait3A_60 = arith.constant 0 : i32
    %dma_wait3A_61 = arith.constant 0 : i32
    %dma_wait3A_62 = tpu.memref_slice %arg4[%dma_wait3A_60, %dma_wait3A_61] : memref<204800x64xf32, #tpu.memory_space<hbm>> -> memref<640x64xf32, #tpu.memory_space<hbm>>
    tpu.wait_dma2 semaphore(%arg7 : memref<!tpu.dma_semaphore, #tpu.memory_space<semaphore_mem>>) src(%dma_wait3A_62 : memref<640x64xf32, #tpu.memory_space<hbm>>) dst(%dma_wait3A_59 : memref<640x64xf32, #tpu.memory_space<vmem>>)
    %add3A_63 = arith.constant 0 : i32
    %add3A_64 = arith.addi %mul3A_2, %add3A_63 : i32
    %mul3A_65 = arith.constant 128 : i32
    %mul3A_66 = arith.muli %add3A_64, %mul3A_65 : i32
    %dma_start3A_67 = arith.constant 0 : i32
    %dma_start3A_68 = arith.constant 0 : i32
    %dma_start3A_69 = tpu.memref_slice %arg6[%dma_start3A_67, %dma_start3A_68] : memref<1280x64xf32, #tpu.memory_space<vmem>> -> memref<640x64xf32, #tpu.memory_space<vmem>>
    %dma_start3A_70 = arith.constant 0 : i32
    %dma_start3A_71 = tpu.memref_slice %arg4[%mul3A_66, %dma_start3A_70] : memref<204800x64xf32, #tpu.memory_space<hbm>> -> memref<640x64xf32, #tpu.memory_space<hbm>>
    %dma_start3A_72 = arith.constant 0 : i32
    %dma_start3A_73 = tpu.memref_slice %arg4[%mul3A_66, %dma_start3A_72] : memref<204800x64xf32, #tpu.memory_space<hbm>> -> memref<640x64xf32, #tpu.memory_space<hbm>>
    %dma_start3A_74 = arith.constant 0 : i32
    %dma_start3A_75 = arith.constant 0 : i32
    %dma_start3A_76 = tpu.memref_slice %arg6[%dma_start3A_74, %dma_start3A_75] : memref<1280x64xf32, #tpu.memory_space<vmem>> -> memref<640x64xf32, #tpu.memory_space<vmem>>
    tpu.enqueue_dma source(%dma_start3A_76 : memref<640x64xf32, #tpu.memory_space<vmem>>) target(%dma_start3A_73 : memref<640x64xf32, #tpu.memory_space<hbm>>) target_semaphore(%arg8 : memref<!tpu.dma_semaphore, #tpu.memory_space<semaphore_mem>>)
    %dma_start3A_77 = arith.constant 5 : i32
    %dma_start3A_78 = arith.constant 640 : i32
    %dma_start3A_79 = arith.constant 0 : i32
    %dma_start3A_80 = tpu.memref_slice %arg6[%dma_start3A_78, %dma_start3A_79] : memref<1280x64xf32, #tpu.memory_space<vmem>> -> memref<128x64xf32, #tpu.memory_space<vmem>>
    %dma_start3A_81 = arith.constant 0 : i32
    %dma_start3A_82 = tpu.memref_slice %arg5[%dma_start3A_77, %dma_start3A_81] : memref<50x128xi32, #tpu.memory_space<vmem>> -> memref<1x128xi32, #tpu.memory_space<vmem>>
    %dma_start3A_83 = tpu.memref_squeeze %dma_start3A_82 : memref<1x128xi32, #tpu.memory_space<vmem>> -> memref<128xi32, #tpu.memory_space<vmem>>
    %dma_start3A_84 = arith.constant 0 : i32
    %dma_start3A_85 = arith.constant 0 : i32
    %dma_start3A_86 = tpu.memref_slice %arg3[%dma_start3A_84, %dma_start3A_85] : memref<1000000x64xf32, #tpu.memory_space<hbm>> -> memref<1000000x64xf32, #tpu.memory_space<hbm>>
    tpu.enqueue_indirect_dma source(%dma_start3A_86 : memref<1000000x64xf32, #tpu.memory_space<hbm>>) target(%dma_start3A_80 : memref<128x64xf32, #tpu.memory_space<vmem>>) offsets(%dma_start3A_83 : memref<128xi32, #tpu.memory_space<vmem>>) semaphore(%arg7 : memref<!tpu.dma_semaphore, #tpu.memory_space<semaphore_mem>>)
    %dma_start3A_87 = arith.constant 6 : i32
    %dma_start3A_88 = arith.constant 768 : i32
    %dma_start3A_89 = arith.constant 0 : i32
    %dma_start3A_90 = tpu.memref_slice %arg6[%dma_start3A_88, %dma_start3A_89] : memref<1280x64xf32, #tpu.memory_space<vmem>> -> memref<128x64xf32, #tpu.memory_space<vmem>>
    %dma_start3A_91 = arith.constant 0 : i32
    %dma_start3A_92 = tpu.memref_slice %arg5[%dma_start3A_87, %dma_start3A_91] : memref<50x128xi32, #tpu.memory_space<vmem>> -> memref<1x128xi32, #tpu.memory_space<vmem>>
    %dma_start3A_93 = tpu.memref_squeeze %dma_start3A_92 : memref<1x128xi32, #tpu.memory_space<vmem>> -> memref<128xi32, #tpu.memory_space<vmem>>
    %dma_start3A_94 = arith.constant 0 : i32
    %dma_start3A_95 = arith.constant 0 : i32
    %dma_start3A_96 = tpu.memref_slice %arg3[%dma_start3A_94, %dma_start3A_95] : memref<1000000x64xf32, #tpu.memory_space<hbm>> -> memref<1000000x64xf32, #tpu.memory_space<hbm>>
    tpu.enqueue_indirect_dma source(%dma_start3A_96 : memref<1000000x64xf32, #tpu.memory_space<hbm>>) target(%dma_start3A_90 : memref<128x64xf32, #tpu.memory_space<vmem>>) offsets(%dma_start3A_93 : memref<128xi32, #tpu.memory_space<vmem>>) semaphore(%arg7 : memref<!tpu.dma_semaphore, #tpu.memory_space<semaphore_mem>>)
    %dma_start3A_97 = arith.constant 7 : i32
    %dma_start3A_98 = arith.constant 896 : i32
    %dma_start3A_99 = arith.constant 0 : i32
    %dma_start3A_100 = tpu.memref_slice %arg6[%dma_start3A_98, %dma_start3A_99] : memref<1280x64xf32, #tpu.memory_space<vmem>> -> memref<128x64xf32, #tpu.memory_space<vmem>>
    %dma_start3A_101 = arith.constant 0 : i32
    %dma_start3A_102 = tpu.memref_slice %arg5[%dma_start3A_97, %dma_start3A_101] : memref<50x128xi32, #tpu.memory_space<vmem>> -> memref<1x128xi32, #tpu.memory_space<vmem>>
    %dma_start3A_103 = tpu.memref_squeeze %dma_start3A_102 : memref<1x128xi32, #tpu.memory_space<vmem>> -> memref<128xi32, #tpu.memory_space<vmem>>
    %dma_start3A_104 = arith.constant 0 : i32
    %dma_start3A_105 = arith.constant 0 : i32
    %dma_start3A_106 = tpu.memref_slice %arg3[%dma_start3A_104, %dma_start3A_105] : memref<1000000x64xf32, #tpu.memory_space<hbm>> -> memref<1000000x64xf32, #tpu.memory_space<hbm>>
    tpu.enqueue_indirect_dma source(%dma_start3A_106 : memref<1000000x64xf32, #tpu.memory_space<hbm>>) target(%dma_start3A_100 : memref<128x64xf32, #tpu.memory_space<vmem>>) offsets(%dma_start3A_103 : memref<128xi32, #tpu.memory_space<vmem>>) semaphore(%arg7 : memref<!tpu.dma_semaphore, #tpu.memory_space<semaphore_mem>>)
    %dma_start3A_107 = arith.constant 8 : i32
    %dma_start3A_108 = arith.constant 1024 : i32
    %dma_start3A_109 = arith.constant 0 : i32
    %dma_start3A_110 = tpu.memref_slice %arg6[%dma_start3A_108, %dma_start3A_109] : memref<1280x64xf32, #tpu.memory_space<vmem>> -> memref<128x64xf32, #tpu.memory_space<vmem>>
    %dma_start3A_111 = arith.constant 0 : i32
    %dma_start3A_112 = tpu.memref_slice %arg5[%dma_start3A_107, %dma_start3A_111] : memref<50x128xi32, #tpu.memory_space<vmem>> -> memref<1x128xi32, #tpu.memory_space<vmem>>
    %dma_start3A_113 = tpu.memref_squeeze %dma_start3A_112 : memref<1x128xi32, #tpu.memory_space<vmem>> -> memref<128xi32, #tpu.memory_space<vmem>>
    %dma_start3A_114 = arith.constant 0 : i32
    %dma_start3A_115 = arith.constant 0 : i32
    %dma_start3A_116 = tpu.memref_slice %arg3[%dma_start3A_114, %dma_start3A_115] : memref<1000000x64xf32, #tpu.memory_space<hbm>> -> memref<1000000x64xf32, #tpu.memory_space<hbm>>
    tpu.enqueue_indirect_dma source(%dma_start3A_116 : memref<1000000x64xf32, #tpu.memory_space<hbm>>) target(%dma_start3A_110 : memref<128x64xf32, #tpu.memory_space<vmem>>) offsets(%dma_start3A_113 : memref<128xi32, #tpu.memory_space<vmem>>) semaphore(%arg7 : memref<!tpu.dma_semaphore, #tpu.memory_space<semaphore_mem>>)
    %dma_start3A_117 = arith.constant 9 : i32
    %dma_start3A_118 = arith.constant 1152 : i32
    %dma_start3A_119 = arith.constant 0 : i32
    %dma_start3A_120 = tpu.memref_slice %arg6[%dma_start3A_118, %dma_start3A_119] : memref<1280x64xf32, #tpu.memory_space<vmem>> -> memref<128x64xf32, #tpu.memory_space<vmem>>
    %dma_start3A_121 = arith.constant 0 : i32
    %dma_start3A_122 = tpu.memref_slice %arg5[%dma_start3A_117, %dma_start3A_121] : memref<50x128xi32, #tpu.memory_space<vmem>> -> memref<1x128xi32, #tpu.memory_space<vmem>>
    %dma_start3A_123 = tpu.memref_squeeze %dma_start3A_122 : memref<1x128xi32, #tpu.memory_space<vmem>> -> memref<128xi32, #tpu.memory_space<vmem>>
    %dma_start3A_124 = arith.constant 0 : i32
    %dma_start3A_125 = arith.constant 0 : i32
    %dma_start3A_126 = tpu.memref_slice %arg3[%dma_start3A_124, %dma_start3A_125] : memref<1000000x64xf32, #tpu.memory_space<hbm>> -> memref<1000000x64xf32, #tpu.memory_space<hbm>>
    tpu.enqueue_indirect_dma source(%dma_start3A_126 : memref<1000000x64xf32, #tpu.memory_space<hbm>>) target(%dma_start3A_120 : memref<128x64xf32, #tpu.memory_space<vmem>>) offsets(%dma_start3A_123 : memref<128xi32, #tpu.memory_space<vmem>>) semaphore(%arg7 : memref<!tpu.dma_semaphore, #tpu.memory_space<semaphore_mem>>)
    %scan3A = arith.constant 0 : i32
    %scan3A_127 = arith.constant 0 : i32
    %scan3A_128 = arith.constant 4 : i32
    %scan3A_129 = arith.addi %scan3A_127, %scan3A_128 : i32
    %scan3A_130 = arith.constant 1 : i32
    scf.for %scan3A_186 = %scan3A_127 to %scan3A_129 step %scan3A_130  : i32 {
      %mul3A_187 = arith.constant 2 : i32
      %mul3A_188 = arith.muli %mul3A_187, %scan3A_186 : i32
      %add3A_189 = arith.constant 1 : i32
      %add3A_190 = arith.addi %mul3A_188, %add3A_189 : i32
      %mul3A_191 = arith.constant 2 : i32
      %mul3A_192 = arith.muli %mul3A_191, %scan3A_186 : i32
      %add3A_193 = arith.constant 2 : i32
      %add3A_194 = arith.addi %mul3A_192, %add3A_193 : i32
      %dma_wait3A_195 = arith.constant 640 : i32
      %dma_wait3A_196 = arith.constant 0 : i32
      %dma_wait3A_197 = tpu.memref_slice %arg6[%dma_wait3A_195, %dma_wait3A_196] : memref<1280x64xf32, #tpu.memory_space<vmem>> -> memref<640x64xf32, #tpu.memory_space<vmem>>
      %dma_wait3A_198 = arith.constant 0 : i32
      %dma_wait3A_199 = arith.constant 0 : i32
      %dma_wait3A_200 = tpu.memref_slice %arg4[%dma_wait3A_198, %dma_wait3A_199] : memref<204800x64xf32, #tpu.memory_space<hbm>> -> memref<640x64xf32, #tpu.memory_space<hbm>>
      %dma_wait3A_201 = arith.constant 640 : i32
      %dma_wait3A_202 = arith.constant 0 : i32
      %dma_wait3A_203 = tpu.memref_slice %arg6[%dma_wait3A_201, %dma_wait3A_202] : memref<1280x64xf32, #tpu.memory_space<vmem>> -> memref<640x64xf32, #tpu.memory_space<vmem>>
      %dma_wait3A_204 = arith.constant 0 : i32
      %dma_wait3A_205 = arith.constant 0 : i32
      %dma_wait3A_206 = tpu.memref_slice %arg4[%dma_wait3A_204, %dma_wait3A_205] : memref<204800x64xf32, #tpu.memory_space<hbm>> -> memref<640x64xf32, #tpu.memory_space<hbm>>
      tpu.wait_dma2 semaphore(%arg7 : memref<!tpu.dma_semaphore, #tpu.memory_space<semaphore_mem>>) src(%dma_wait3A_206 : memref<640x64xf32, #tpu.memory_space<hbm>>) dst(%dma_wait3A_203 : memref<640x64xf32, #tpu.memory_space<vmem>>)
      %mul3A_207 = arith.constant 5 : i32
      %mul3A_208 = arith.muli %add3A_190, %mul3A_207 : i32
      %add3A_209 = arith.addi %mul3A_2, %mul3A_208 : i32
      %mul3A_210 = arith.constant 128 : i32
      %mul3A_211 = arith.muli %add3A_209, %mul3A_210 : i32
      %dma_start3A_212 = arith.constant 640 : i32
      %dma_start3A_213 = arith.constant 0 : i32
      %dma_start3A_214 = tpu.memref_slice %arg6[%dma_start3A_212, %dma_start3A_213] : memref<1280x64xf32, #tpu.memory_space<vmem>> -> memref<640x64xf32, #tpu.memory_space<vmem>>
      %dma_start3A_215 = arith.constant 0 : i32
      %dma_start3A_216 = tpu.memref_slice %arg4[%mul3A_211, %dma_start3A_215] : memref<204800x64xf32, #tpu.memory_space<hbm>> -> memref<640x64xf32, #tpu.memory_space<hbm>>
      %dma_start3A_217 = arith.constant 0 : i32
      %dma_start3A_218 = tpu.memref_slice %arg4[%mul3A_211, %dma_start3A_217] : memref<204800x64xf32, #tpu.memory_space<hbm>> -> memref<640x64xf32, #tpu.memory_space<hbm>>
      %dma_start3A_219 = arith.constant 640 : i32
      %dma_start3A_220 = arith.constant 0 : i32
      %dma_start3A_221 = tpu.memref_slice %arg6[%dma_start3A_219, %dma_start3A_220] : memref<1280x64xf32, #tpu.memory_space<vmem>> -> memref<640x64xf32, #tpu.memory_space<vmem>>
      tpu.enqueue_dma source(%dma_start3A_221 : memref<640x64xf32, #tpu.memory_space<vmem>>) target(%dma_start3A_218 : memref<640x64xf32, #tpu.memory_space<hbm>>) target_semaphore(%arg9 : memref<!tpu.dma_semaphore, #tpu.memory_space<semaphore_mem>>)
      %sub3A = arith.constant 1 : i32
      %sub3A_222 = arith.subi %add3A_190, %sub3A : i32
      %mul3A_223 = arith.constant 5 : i32
      %mul3A_224 = arith.muli %sub3A_222, %mul3A_223 : i32
      %add3A_225 = arith.addi %mul3A_2, %mul3A_224 : i32
      %mul3A_226 = arith.constant 128 : i32
      %mul3A_227 = arith.muli %add3A_225, %mul3A_226 : i32
      %dma_wait3A_228 = arith.constant 0 : i32
      %dma_wait3A_229 = arith.constant 0 : i32
      %dma_wait3A_230 = tpu.memref_slice %arg6[%dma_wait3A_228, %dma_wait3A_229] : memref<1280x64xf32, #tpu.memory_space<vmem>> -> memref<640x64xf32, #tpu.memory_space<vmem>>
      %dma_wait3A_231 = arith.constant 0 : i32
      %dma_wait3A_232 = tpu.memref_slice %arg4[%mul3A_227, %dma_wait3A_231] : memref<204800x64xf32, #tpu.memory_space<hbm>> -> memref<640x64xf32, #tpu.memory_space<hbm>>
      %dma_wait3A_233 = arith.constant 0 : i32
      %dma_wait3A_234 = tpu.memref_slice %arg4[%mul3A_227, %dma_wait3A_233] : memref<204800x64xf32, #tpu.memory_space<hbm>> -> memref<640x64xf32, #tpu.memory_space<hbm>>
      %dma_wait3A_235 = arith.constant 0 : i32
      %dma_wait3A_236 = arith.constant 0 : i32
      %dma_wait3A_237 = tpu.memref_slice %arg6[%dma_wait3A_235, %dma_wait3A_236] : memref<1280x64xf32, #tpu.memory_space<vmem>> -> memref<640x64xf32, #tpu.memory_space<vmem>>
      tpu.wait_dma2 semaphore(%arg8 : memref<!tpu.dma_semaphore, #tpu.memory_space<semaphore_mem>>) src(%dma_wait3A_237 : memref<640x64xf32, #tpu.memory_space<vmem>>) dst(%dma_wait3A_234 : memref<640x64xf32, #tpu.memory_space<hbm>>)
      %mul3A_238 = arith.constant 5 : i32
      %mul3A_239 = arith.muli %add3A_194, %mul3A_238 : i32
      %add3A_240 = arith.constant 0 : i32
      %add3A_241 = arith.addi %mul3A_239, %add3A_240 : i32
      %dma_start3A_242 = arith.constant 0 : i32
      %dma_start3A_243 = arith.constant 0 : i32
      %dma_start3A_244 = tpu.memref_slice %arg6[%dma_start3A_242, %dma_start3A_243] : memref<1280x64xf32, #tpu.memory_space<vmem>> -> memref<128x64xf32, #tpu.memory_space<vmem>>
      %dma_start3A_245 = arith.constant 0 : i32
      %dma_start3A_246 = tpu.memref_slice %arg5[%add3A_241, %dma_start3A_245] : memref<50x128xi32, #tpu.memory_space<vmem>> -> memref<1x128xi32, #tpu.memory_space<vmem>>
      %dma_start3A_247 = tpu.memref_squeeze %dma_start3A_246 : memref<1x128xi32, #tpu.memory_space<vmem>> -> memref<128xi32, #tpu.memory_space<vmem>>
      %dma_start3A_248 = arith.constant 0 : i32
      %dma_start3A_249 = arith.constant 0 : i32
      %dma_start3A_250 = tpu.memref_slice %arg3[%dma_start3A_248, %dma_start3A_249] : memref<1000000x64xf32, #tpu.memory_space<hbm>> -> memref<1000000x64xf32, #tpu.memory_space<hbm>>
      tpu.enqueue_indirect_dma source(%dma_start3A_250 : memref<1000000x64xf32, #tpu.memory_space<hbm>>) target(%dma_start3A_244 : memref<128x64xf32, #tpu.memory_space<vmem>>) offsets(%dma_start3A_247 : memref<128xi32, #tpu.memory_space<vmem>>) semaphore(%arg7 : memref<!tpu.dma_semaphore, #tpu.memory_space<semaphore_mem>>)
      %mul3A_251 = arith.constant 5 : i32
      %mul3A_252 = arith.muli %add3A_194, %mul3A_251 : i32
      %add3A_253 = arith.constant 1 : i32
      %add3A_254 = arith.addi %mul3A_252, %add3A_253 : i32
      %dma_start3A_255 = arith.constant 128 : i32
      %dma_start3A_256 = arith.constant 0 : i32
      %dma_start3A_257 = tpu.memref_slice %arg6[%dma_start3A_255, %dma_start3A_256] : memref<1280x64xf32, #tpu.memory_space<vmem>> -> memref<128x64xf32, #tpu.memory_space<vmem>>
      %dma_start3A_258 = arith.constant 0 : i32
      %dma_start3A_259 = tpu.memref_slice %arg5[%add3A_254, %dma_start3A_258] : memref<50x128xi32, #tpu.memory_space<vmem>> -> memref<1x128xi32, #tpu.memory_space<vmem>>
      %dma_start3A_260 = tpu.memref_squeeze %dma_start3A_259 : memref<1x128xi32, #tpu.memory_space<vmem>> -> memref<128xi32, #tpu.memory_space<vmem>>
      %dma_start3A_261 = arith.constant 0 : i32
      %dma_start3A_262 = arith.constant 0 : i32
      %dma_start3A_263 = tpu.memref_slice %arg3[%dma_start3A_261, %dma_start3A_262] : memref<1000000x64xf32, #tpu.memory_space<hbm>> -> memref<1000000x64xf32, #tpu.memory_space<hbm>>
      tpu.enqueue_indirect_dma source(%dma_start3A_263 : memref<1000000x64xf32, #tpu.memory_space<hbm>>) target(%dma_start3A_257 : memref<128x64xf32, #tpu.memory_space<vmem>>) offsets(%dma_start3A_260 : memref<128xi32, #tpu.memory_space<vmem>>) semaphore(%arg7 : memref<!tpu.dma_semaphore, #tpu.memory_space<semaphore_mem>>)
      %mul3A_264 = arith.constant 5 : i32
      %mul3A_265 = arith.muli %add3A_194, %mul3A_264 : i32
      %add3A_266 = arith.constant 2 : i32
      %add3A_267 = arith.addi %mul3A_265, %add3A_266 : i32
      %dma_start3A_268 = arith.constant 256 : i32
      %dma_start3A_269 = arith.constant 0 : i32
      %dma_start3A_270 = tpu.memref_slice %arg6[%dma_start3A_268, %dma_start3A_269] : memref<1280x64xf32, #tpu.memory_space<vmem>> -> memref<128x64xf32, #tpu.memory_space<vmem>>
      %dma_start3A_271 = arith.constant 0 : i32
      %dma_start3A_272 = tpu.memref_slice %arg5[%add3A_267, %dma_start3A_271] : memref<50x128xi32, #tpu.memory_space<vmem>> -> memref<1x128xi32, #tpu.memory_space<vmem>>
      %dma_start3A_273 = tpu.memref_squeeze %dma_start3A_272 : memref<1x128xi32, #tpu.memory_space<vmem>> -> memref<128xi32, #tpu.memory_space<vmem>>
      %dma_start3A_274 = arith.constant 0 : i32
      %dma_start3A_275 = arith.constant 0 : i32
      %dma_start3A_276 = tpu.memref_slice %arg3[%dma_start3A_274, %dma_start3A_275] : memref<1000000x64xf32, #tpu.memory_space<hbm>> -> memref<1000000x64xf32, #tpu.memory_space<hbm>>
      tpu.enqueue_indirect_dma source(%dma_start3A_276 : memref<1000000x64xf32, #tpu.memory_space<hbm>>) target(%dma_start3A_270 : memref<128x64xf32, #tpu.memory_space<vmem>>) offsets(%dma_start3A_273 : memref<128xi32, #tpu.memory_space<vmem>>) semaphore(%arg7 : memref<!tpu.dma_semaphore, #tpu.memory_space<semaphore_mem>>)
      %mul3A_277 = arith.constant 5 : i32
      %mul3A_278 = arith.muli %add3A_194, %mul3A_277 : i32
      %add3A_279 = arith.constant 3 : i32
      %add3A_280 = arith.addi %mul3A_278, %add3A_279 : i32
      %dma_start3A_281 = arith.constant 384 : i32
      %dma_start3A_282 = arith.constant 0 : i32
      %dma_start3A_283 = tpu.memref_slice %arg6[%dma_start3A_281, %dma_start3A_282] : memref<1280x64xf32, #tpu.memory_space<vmem>> -> memref<128x64xf32, #tpu.memory_space<vmem>>
      %dma_start3A_284 = arith.constant 0 : i32
      %dma_start3A_285 = tpu.memref_slice %arg5[%add3A_280, %dma_start3A_284] : memref<50x128xi32, #tpu.memory_space<vmem>> -> memref<1x128xi32, #tpu.memory_space<vmem>>
      %dma_start3A_286 = tpu.memref_squeeze %dma_start3A_285 : memref<1x128xi32, #tpu.memory_space<vmem>> -> memref<128xi32, #tpu.memory_space<vmem>>
      %dma_start3A_287 = arith.constant 0 : i32
      %dma_start3A_288 = arith.constant 0 : i32
      %dma_start3A_289 = tpu.memref_slice %arg3[%dma_start3A_287, %dma_start3A_288] : memref<1000000x64xf32, #tpu.memory_space<hbm>> -> memref<1000000x64xf32, #tpu.memory_space<hbm>>
      tpu.enqueue_indirect_dma source(%dma_start3A_289 : memref<1000000x64xf32, #tpu.memory_space<hbm>>) target(%dma_start3A_283 : memref<128x64xf32, #tpu.memory_space<vmem>>) offsets(%dma_start3A_286 : memref<128xi32, #tpu.memory_space<vmem>>) semaphore(%arg7 : memref<!tpu.dma_semaphore, #tpu.memory_space<semaphore_mem>>)
      %mul3A_290 = arith.constant 5 : i32
      %mul3A_291 = arith.muli %add3A_194, %mul3A_290 : i32
      %add3A_292 = arith.constant 4 : i32
      %add3A_293 = arith.addi %mul3A_291, %add3A_292 : i32
      %dma_start3A_294 = arith.constant 512 : i32
      %dma_start3A_295 = arith.constant 0 : i32
      %dma_start3A_296 = tpu.memref_slice %arg6[%dma_start3A_294, %dma_start3A_295] : memref<1280x64xf32, #tpu.memory_space<vmem>> -> memref<128x64xf32, #tpu.memory_space<vmem>>
      %dma_start3A_297 = arith.constant 0 : i32
      %dma_start3A_298 = tpu.memref_slice %arg5[%add3A_293, %dma_start3A_297] : memref<50x128xi32, #tpu.memory_space<vmem>> -> memref<1x128xi32, #tpu.memory_space<vmem>>
      %dma_start3A_299 = tpu.memref_squeeze %dma_start3A_298 : memref<1x128xi32, #tpu.memory_space<vmem>> -> memref<128xi32, #tpu.memory_space<vmem>>
      %dma_start3A_300 = arith.constant 0 : i32
      %dma_start3A_301 = arith.constant 0 : i32
      %dma_start3A_302 = tpu.memref_slice %arg3[%dma_start3A_300, %dma_start3A_301] : memref<1000000x64xf32, #tpu.memory_space<hbm>> -> memref<1000000x64xf32, #tpu.memory_space<hbm>>
      tpu.enqueue_indirect_dma source(%dma_start3A_302 : memref<1000000x64xf32, #tpu.memory_space<hbm>>) target(%dma_start3A_296 : memref<128x64xf32, #tpu.memory_space<vmem>>) offsets(%dma_start3A_299 : memref<128xi32, #tpu.memory_space<vmem>>) semaphore(%arg7 : memref<!tpu.dma_semaphore, #tpu.memory_space<semaphore_mem>>)
      %dma_wait3A_303 = arith.constant 0 : i32
      %dma_wait3A_304 = arith.constant 0 : i32
      %dma_wait3A_305 = tpu.memref_slice %arg6[%dma_wait3A_303, %dma_wait3A_304] : memref<1280x64xf32, #tpu.memory_space<vmem>> -> memref<640x64xf32, #tpu.memory_space<vmem>>
      %dma_wait3A_306 = arith.constant 0 : i32
      %dma_wait3A_307 = arith.constant 0 : i32
      %dma_wait3A_308 = tpu.memref_slice %arg4[%dma_wait3A_306, %dma_wait3A_307] : memref<204800x64xf32, #tpu.memory_space<hbm>> -> memref<640x64xf32, #tpu.memory_space<hbm>>
      %dma_wait3A_309 = arith.constant 0 : i32
      %dma_wait3A_310 = arith.constant 0 : i32
      %dma_wait3A_311 = tpu.memref_slice %arg6[%dma_wait3A_309, %dma_wait3A_310] : memref<1280x64xf32, #tpu.memory_space<vmem>> -> memref<640x64xf32, #tpu.memory_space<vmem>>
      %dma_wait3A_312 = arith.constant 0 : i32
      %dma_wait3A_313 = arith.constant 0 : i32
      %dma_wait3A_314 = tpu.memref_slice %arg4[%dma_wait3A_312, %dma_wait3A_313] : memref<204800x64xf32, #tpu.memory_space<hbm>> -> memref<640x64xf32, #tpu.memory_space<hbm>>
      tpu.wait_dma2 semaphore(%arg7 : memref<!tpu.dma_semaphore, #tpu.memory_space<semaphore_mem>>) src(%dma_wait3A_314 : memref<640x64xf32, #tpu.memory_space<hbm>>) dst(%dma_wait3A_311 : memref<640x64xf32, #tpu.memory_space<vmem>>)
      %mul3A_315 = arith.constant 5 : i32
      %mul3A_316 = arith.muli %add3A_194, %mul3A_315 : i32
      %add3A_317 = arith.addi %mul3A_2, %mul3A_316 : i32
      %mul3A_318 = arith.constant 128 : i32
      %mul3A_319 = arith.muli %add3A_317, %mul3A_318 : i32
      %dma_start3A_320 = arith.constant 0 : i32
      %dma_start3A_321 = arith.constant 0 : i32
      %dma_start3A_322 = tpu.memref_slice %arg6[%dma_start3A_320, %dma_start3A_321] : memref<1280x64xf32, #tpu.memory_space<vmem>> -> memref<640x64xf32, #tpu.memory_space<vmem>>
      %dma_start3A_323 = arith.constant 0 : i32
      %dma_start3A_324 = tpu.memref_slice %arg4[%mul3A_319, %dma_start3A_323] : memref<204800x64xf32, #tpu.memory_space<hbm>> -> memref<640x64xf32, #tpu.memory_space<hbm>>
      %dma_start3A_325 = arith.constant 0 : i32
      %dma_start3A_326 = tpu.memref_slice %arg4[%mul3A_319, %dma_start3A_325] : memref<204800x64xf32, #tpu.memory_space<hbm>> -> memref<640x64xf32, #tpu.memory_space<hbm>>
      %dma_start3A_327 = arith.constant 0 : i32
      %dma_start3A_328 = arith.constant 0 : i32
      %dma_start3A_329 = tpu.memref_slice %arg6[%dma_start3A_327, %dma_start3A_328] : memref<1280x64xf32, #tpu.memory_space<vmem>> -> memref<640x64xf32, #tpu.memory_space<vmem>>
      tpu.enqueue_dma source(%dma_start3A_329 : memref<640x64xf32, #tpu.memory_space<vmem>>) target(%dma_start3A_326 : memref<640x64xf32, #tpu.memory_space<hbm>>) target_semaphore(%arg8 : memref<!tpu.dma_semaphore, #tpu.memory_space<semaphore_mem>>)
      %mul3A_330 = arith.constant 5 : i32
      %mul3A_331 = arith.muli %add3A_190, %mul3A_330 : i32
      %add3A_332 = arith.addi %mul3A_2, %mul3A_331 : i32
      %mul3A_333 = arith.constant 128 : i32
      %mul3A_334 = arith.muli %add3A_332, %mul3A_333 : i32
      %dma_wait3A_335 = arith.constant 640 : i32
      %dma_wait3A_336 = arith.constant 0 : i32
      %dma_wait3A_337 = tpu.memref_slice %arg6[%dma_wait3A_335, %dma_wait3A_336] : memref<1280x64xf32, #tpu.memory_space<vmem>> -> memref<640x64xf32, #tpu.memory_space<vmem>>
      %dma_wait3A_338 = arith.constant 0 : i32
      %dma_wait3A_339 = tpu.memref_slice %arg4[%mul3A_334, %dma_wait3A_338] : memref<204800x64xf32, #tpu.memory_space<hbm>> -> memref<640x64xf32, #tpu.memory_space<hbm>>
      %dma_wait3A_340 = arith.constant 0 : i32
      %dma_wait3A_341 = tpu.memref_slice %arg4[%mul3A_334, %dma_wait3A_340] : memref<204800x64xf32, #tpu.memory_space<hbm>> -> memref<640x64xf32, #tpu.memory_space<hbm>>
      %dma_wait3A_342 = arith.constant 640 : i32
      %dma_wait3A_343 = arith.constant 0 : i32
      %dma_wait3A_344 = tpu.memref_slice %arg6[%dma_wait3A_342, %dma_wait3A_343] : memref<1280x64xf32, #tpu.memory_space<vmem>> -> memref<640x64xf32, #tpu.memory_space<vmem>>
      tpu.wait_dma2 semaphore(%arg9 : memref<!tpu.dma_semaphore, #tpu.memory_space<semaphore_mem>>) src(%dma_wait3A_344 : memref<640x64xf32, #tpu.memory_space<vmem>>) dst(%dma_wait3A_341 : memref<640x64xf32, #tpu.memory_space<hbm>>)
      %add3A_345 = arith.constant 1 : i32
      %add3A_346 = arith.addi %add3A_194, %add3A_345 : i32
      %mul3A_347 = arith.constant 5 : i32
      %mul3A_348 = arith.muli %add3A_346, %mul3A_347 : i32
      %add3A_349 = arith.constant 0 : i32
      %add3A_350 = arith.addi %mul3A_348, %add3A_349 : i32
      %dma_start3A_351 = arith.constant 640 : i32
      %dma_start3A_352 = arith.constant 0 : i32
      %dma_start3A_353 = tpu.memref_slice %arg6[%dma_start3A_351, %dma_start3A_352] : memref<1280x64xf32, #tpu.memory_space<vmem>> -> memref<128x64xf32, #tpu.memory_space<vmem>>
      %dma_start3A_354 = arith.constant 0 : i32
      %dma_start3A_355 = tpu.memref_slice %arg5[%add3A_350, %dma_start3A_354] : memref<50x128xi32, #tpu.memory_space<vmem>> -> memref<1x128xi32, #tpu.memory_space<vmem>>
      %dma_start3A_356 = tpu.memref_squeeze %dma_start3A_355 : memref<1x128xi32, #tpu.memory_space<vmem>> -> memref<128xi32, #tpu.memory_space<vmem>>
      %dma_start3A_357 = arith.constant 0 : i32
      %dma_start3A_358 = arith.constant 0 : i32
      %dma_start3A_359 = tpu.memref_slice %arg3[%dma_start3A_357, %dma_start3A_358] : memref<1000000x64xf32, #tpu.memory_space<hbm>> -> memref<1000000x64xf32, #tpu.memory_space<hbm>>
      tpu.enqueue_indirect_dma source(%dma_start3A_359 : memref<1000000x64xf32, #tpu.memory_space<hbm>>) target(%dma_start3A_353 : memref<128x64xf32, #tpu.memory_space<vmem>>) offsets(%dma_start3A_356 : memref<128xi32, #tpu.memory_space<vmem>>) semaphore(%arg7 : memref<!tpu.dma_semaphore, #tpu.memory_space<semaphore_mem>>)
      %mul3A_360 = arith.constant 5 : i32
      %mul3A_361 = arith.muli %add3A_346, %mul3A_360 : i32
      %add3A_362 = arith.constant 1 : i32
      %add3A_363 = arith.addi %mul3A_361, %add3A_362 : i32
      %dma_start3A_364 = arith.constant 768 : i32
      %dma_start3A_365 = arith.constant 0 : i32
      %dma_start3A_366 = tpu.memref_slice %arg6[%dma_start3A_364, %dma_start3A_365] : memref<1280x64xf32, #tpu.memory_space<vmem>> -> memref<128x64xf32, #tpu.memory_space<vmem>>
      %dma_start3A_367 = arith.constant 0 : i32
      %dma_start3A_368 = tpu.memref_slice %arg5[%add3A_363, %dma_start3A_367] : memref<50x128xi32, #tpu.memory_space<vmem>> -> memref<1x128xi32, #tpu.memory_space<vmem>>
      %dma_start3A_369 = tpu.memref_squeeze %dma_start3A_368 : memref<1x128xi32, #tpu.memory_space<vmem>> -> memref<128xi32, #tpu.memory_space<vmem>>
      %dma_start3A_370 = arith.constant 0 : i32
      %dma_start3A_371 = arith.constant 0 : i32
      %dma_start3A_372 = tpu.memref_slice %arg3[%dma_start3A_370, %dma_start3A_371] : memref<1000000x64xf32, #tpu.memory_space<hbm>> -> memref<1000000x64xf32, #tpu.memory_space<hbm>>
      tpu.enqueue_indirect_dma source(%dma_start3A_372 : memref<1000000x64xf32, #tpu.memory_space<hbm>>) target(%dma_start3A_366 : memref<128x64xf32, #tpu.memory_space<vmem>>) offsets(%dma_start3A_369 : memref<128xi32, #tpu.memory_space<vmem>>) semaphore(%arg7 : memref<!tpu.dma_semaphore, #tpu.memory_space<semaphore_mem>>)
      %mul3A_373 = arith.constant 5 : i32
      %mul3A_374 = arith.muli %add3A_346, %mul3A_373 : i32
      %add3A_375 = arith.constant 2 : i32
      %add3A_376 = arith.addi %mul3A_374, %add3A_375 : i32
      %dma_start3A_377 = arith.constant 896 : i32
      %dma_start3A_378 = arith.constant 0 : i32
      %dma_start3A_379 = tpu.memref_slice %arg6[%dma_start3A_377, %dma_start3A_378] : memref<1280x64xf32, #tpu.memory_space<vmem>> -> memref<128x64xf32, #tpu.memory_space<vmem>>
      %dma_start3A_380 = arith.constant 0 : i32
      %dma_start3A_381 = tpu.memref_slice %arg5[%add3A_376, %dma_start3A_380] : memref<50x128xi32, #tpu.memory_space<vmem>> -> memref<1x128xi32, #tpu.memory_space<vmem>>
      %dma_start3A_382 = tpu.memref_squeeze %dma_start3A_381 : memref<1x128xi32, #tpu.memory_space<vmem>> -> memref<128xi32, #tpu.memory_space<vmem>>
      %dma_start3A_383 = arith.constant 0 : i32
      %dma_start3A_384 = arith.constant 0 : i32
      %dma_start3A_385 = tpu.memref_slice %arg3[%dma_start3A_383, %dma_start3A_384] : memref<1000000x64xf32, #tpu.memory_space<hbm>> -> memref<1000000x64xf32, #tpu.memory_space<hbm>>
      tpu.enqueue_indirect_dma source(%dma_start3A_385 : memref<1000000x64xf32, #tpu.memory_space<hbm>>) target(%dma_start3A_379 : memref<128x64xf32, #tpu.memory_space<vmem>>) offsets(%dma_start3A_382 : memref<128xi32, #tpu.memory_space<vmem>>) semaphore(%arg7 : memref<!tpu.dma_semaphore, #tpu.memory_space<semaphore_mem>>)
      %mul3A_386 = arith.constant 5 : i32
      %mul3A_387 = arith.muli %add3A_346, %mul3A_386 : i32
      %add3A_388 = arith.constant 3 : i32
      %add3A_389 = arith.addi %mul3A_387, %add3A_388 : i32
      %dma_start3A_390 = arith.constant 1024 : i32
      %dma_start3A_391 = arith.constant 0 : i32
      %dma_start3A_392 = tpu.memref_slice %arg6[%dma_start3A_390, %dma_start3A_391] : memref<1280x64xf32, #tpu.memory_space<vmem>> -> memref<128x64xf32, #tpu.memory_space<vmem>>
      %dma_start3A_393 = arith.constant 0 : i32
      %dma_start3A_394 = tpu.memref_slice %arg5[%add3A_389, %dma_start3A_393] : memref<50x128xi32, #tpu.memory_space<vmem>> -> memref<1x128xi32, #tpu.memory_space<vmem>>
      %dma_start3A_395 = tpu.memref_squeeze %dma_start3A_394 : memref<1x128xi32, #tpu.memory_space<vmem>> -> memref<128xi32, #tpu.memory_space<vmem>>
      %dma_start3A_396 = arith.constant 0 : i32
      %dma_start3A_397 = arith.constant 0 : i32
      %dma_start3A_398 = tpu.memref_slice %arg3[%dma_start3A_396, %dma_start3A_397] : memref<1000000x64xf32, #tpu.memory_space<hbm>> -> memref<1000000x64xf32, #tpu.memory_space<hbm>>
      tpu.enqueue_indirect_dma source(%dma_start3A_398 : memref<1000000x64xf32, #tpu.memory_space<hbm>>) target(%dma_start3A_392 : memref<128x64xf32, #tpu.memory_space<vmem>>) offsets(%dma_start3A_395 : memref<128xi32, #tpu.memory_space<vmem>>) semaphore(%arg7 : memref<!tpu.dma_semaphore, #tpu.memory_space<semaphore_mem>>)
      %mul3A_399 = arith.constant 5 : i32
      %mul3A_400 = arith.muli %add3A_346, %mul3A_399 : i32
      %add3A_401 = arith.constant 4 : i32
      %add3A_402 = arith.addi %mul3A_400, %add3A_401 : i32
      %dma_start3A_403 = arith.constant 1152 : i32
      %dma_start3A_404 = arith.constant 0 : i32
      %dma_start3A_405 = tpu.memref_slice %arg6[%dma_start3A_403, %dma_start3A_404] : memref<1280x64xf32, #tpu.memory_space<vmem>> -> memref<128x64xf32, #tpu.memory_space<vmem>>
      %dma_start3A_406 = arith.constant 0 : i32
      %dma_start3A_407 = tpu.memref_slice %arg5[%add3A_402, %dma_start3A_406] : memref<50x128xi32, #tpu.memory_space<vmem>> -> memref<1x128xi32, #tpu.memory_space<vmem>>
      %dma_start3A_408 = tpu.memref_squeeze %dma_start3A_407 : memref<1x128xi32, #tpu.memory_space<vmem>> -> memref<128xi32, #tpu.memory_space<vmem>>
      %dma_start3A_409 = arith.constant 0 : i32
      %dma_start3A_410 = arith.constant 0 : i32
      %dma_start3A_411 = tpu.memref_slice %arg3[%dma_start3A_409, %dma_start3A_410] : memref<1000000x64xf32, #tpu.memory_space<hbm>> -> memref<1000000x64xf32, #tpu.memory_space<hbm>>
      tpu.enqueue_indirect_dma source(%dma_start3A_411 : memref<1000000x64xf32, #tpu.memory_space<hbm>>) target(%dma_start3A_405 : memref<128x64xf32, #tpu.memory_space<vmem>>) offsets(%dma_start3A_408 : memref<128xi32, #tpu.memory_space<vmem>>) semaphore(%arg7 : memref<!tpu.dma_semaphore, #tpu.memory_space<semaphore_mem>>)
    }
    %scan3A_131 = arith.constant 4 : i32
    %dma_wait3A_132 = arith.constant 640 : i32
    %dma_wait3A_133 = arith.constant 0 : i32
    %dma_wait3A_134 = tpu.memref_slice %arg6[%dma_wait3A_132, %dma_wait3A_133] : memref<1280x64xf32, #tpu.memory_space<vmem>> -> memref<640x64xf32, #tpu.memory_space<vmem>>
    %dma_wait3A_135 = arith.constant 0 : i32
    %dma_wait3A_136 = arith.constant 0 : i32
    %dma_wait3A_137 = tpu.memref_slice %arg4[%dma_wait3A_135, %dma_wait3A_136] : memref<204800x64xf32, #tpu.memory_space<hbm>> -> memref<640x64xf32, #tpu.memory_space<hbm>>
    %dma_wait3A_138 = arith.constant 640 : i32
    %dma_wait3A_139 = arith.constant 0 : i32
    %dma_wait3A_140 = tpu.memref_slice %arg6[%dma_wait3A_138, %dma_wait3A_139] : memref<1280x64xf32, #tpu.memory_space<vmem>> -> memref<640x64xf32, #tpu.memory_space<vmem>>
    %dma_wait3A_141 = arith.constant 0 : i32
    %dma_wait3A_142 = arith.constant 0 : i32
    %dma_wait3A_143 = tpu.memref_slice %arg4[%dma_wait3A_141, %dma_wait3A_142] : memref<204800x64xf32, #tpu.memory_space<hbm>> -> memref<640x64xf32, #tpu.memory_space<hbm>>
    tpu.wait_dma2 semaphore(%arg7 : memref<!tpu.dma_semaphore, #tpu.memory_space<semaphore_mem>>) src(%dma_wait3A_143 : memref<640x64xf32, #tpu.memory_space<hbm>>) dst(%dma_wait3A_140 : memref<640x64xf32, #tpu.memory_space<vmem>>)
    %add3A_144 = arith.constant 45 : i32
    %add3A_145 = arith.addi %mul3A_2, %add3A_144 : i32
    %mul3A_146 = arith.constant 128 : i32
    %mul3A_147 = arith.muli %add3A_145, %mul3A_146 : i32
    %dma_start3A_148 = arith.constant 640 : i32
    %dma_start3A_149 = arith.constant 0 : i32
    %dma_start3A_150 = tpu.memref_slice %arg6[%dma_start3A_148, %dma_start3A_149] : memref<1280x64xf32, #tpu.memory_space<vmem>> -> memref<640x64xf32, #tpu.memory_space<vmem>>
    %dma_start3A_151 = arith.constant 0 : i32
    %dma_start3A_152 = tpu.memref_slice %arg4[%mul3A_147, %dma_start3A_151] : memref<204800x64xf32, #tpu.memory_space<hbm>> -> memref<640x64xf32, #tpu.memory_space<hbm>>
    %dma_start3A_153 = arith.constant 0 : i32
    %dma_start3A_154 = tpu.memref_slice %arg4[%mul3A_147, %dma_start3A_153] : memref<204800x64xf32, #tpu.memory_space<hbm>> -> memref<640x64xf32, #tpu.memory_space<hbm>>
    %dma_start3A_155 = arith.constant 640 : i32
    %dma_start3A_156 = arith.constant 0 : i32
    %dma_start3A_157 = tpu.memref_slice %arg6[%dma_start3A_155, %dma_start3A_156] : memref<1280x64xf32, #tpu.memory_space<vmem>> -> memref<640x64xf32, #tpu.memory_space<vmem>>
    tpu.enqueue_dma source(%dma_start3A_157 : memref<640x64xf32, #tpu.memory_space<vmem>>) target(%dma_start3A_154 : memref<640x64xf32, #tpu.memory_space<hbm>>) target_semaphore(%arg9 : memref<!tpu.dma_semaphore, #tpu.memory_space<semaphore_mem>>)
    %add3A_158 = arith.constant 40 : i32
    %add3A_159 = arith.addi %mul3A_2, %add3A_158 : i32
    %mul3A_160 = arith.constant 128 : i32
    %mul3A_161 = arith.muli %add3A_159, %mul3A_160 : i32
    %dma_wait3A_162 = arith.constant 0 : i32
    %dma_wait3A_163 = arith.constant 0 : i32
    %dma_wait3A_164 = tpu.memref_slice %arg6[%dma_wait3A_162, %dma_wait3A_163] : memref<1280x64xf32, #tpu.memory_space<vmem>> -> memref<640x64xf32, #tpu.memory_space<vmem>>
    %dma_wait3A_165 = arith.constant 0 : i32
    %dma_wait3A_166 = tpu.memref_slice %arg4[%mul3A_161, %dma_wait3A_165] : memref<204800x64xf32, #tpu.memory_space<hbm>> -> memref<640x64xf32, #tpu.memory_space<hbm>>
    %dma_wait3A_167 = arith.constant 0 : i32
    %dma_wait3A_168 = tpu.memref_slice %arg4[%mul3A_161, %dma_wait3A_167] : memref<204800x64xf32, #tpu.memory_space<hbm>> -> memref<640x64xf32, #tpu.memory_space<hbm>>
    %dma_wait3A_169 = arith.constant 0 : i32
    %dma_wait3A_170 = arith.constant 0 : i32
    %dma_wait3A_171 = tpu.memref_slice %arg6[%dma_wait3A_169, %dma_wait3A_170] : memref<1280x64xf32, #tpu.memory_space<vmem>> -> memref<640x64xf32, #tpu.memory_space<vmem>>
    tpu.wait_dma2 semaphore(%arg8 : memref<!tpu.dma_semaphore, #tpu.memory_space<semaphore_mem>>) src(%dma_wait3A_171 : memref<640x64xf32, #tpu.memory_space<vmem>>) dst(%dma_wait3A_168 : memref<640x64xf32, #tpu.memory_space<hbm>>)
    %add3A_172 = arith.constant 45 : i32
    %add3A_173 = arith.addi %mul3A_2, %add3A_172 : i32
    %mul3A_174 = arith.constant 128 : i32
    %mul3A_175 = arith.muli %add3A_173, %mul3A_174 : i32
    %dma_wait3A_176 = arith.constant 640 : i32
    %dma_wait3A_177 = arith.constant 0 : i32
    %dma_wait3A_178 = tpu.memref_slice %arg6[%dma_wait3A_176, %dma_wait3A_177] : memref<1280x64xf32, #tpu.memory_space<vmem>> -> memref<640x64xf32, #tpu.memory_space<vmem>>
    %dma_wait3A_179 = arith.constant 0 : i32
    %dma_wait3A_180 = tpu.memref_slice %arg4[%mul3A_175, %dma_wait3A_179] : memref<204800x64xf32, #tpu.memory_space<hbm>> -> memref<640x64xf32, #tpu.memory_space<hbm>>
    %dma_wait3A_181 = arith.constant 0 : i32
    %dma_wait3A_182 = tpu.memref_slice %arg4[%mul3A_175, %dma_wait3A_181] : memref<204800x64xf32, #tpu.memory_space<hbm>> -> memref<640x64xf32, #tpu.memory_space<hbm>>
    %dma_wait3A_183 = arith.constant 640 : i32
    %dma_wait3A_184 = arith.constant 0 : i32
    %dma_wait3A_185 = tpu.memref_slice %arg6[%dma_wait3A_183, %dma_wait3A_184] : memref<1280x64xf32, #tpu.memory_space<vmem>> -> memref<640x64xf32, #tpu.memory_space<vmem>>
    tpu.wait_dma2 semaphore(%arg9 : memref<!tpu.dma_semaphore, #tpu.memory_space<semaphore_mem>>) src(%dma_wait3A_185 : memref<640x64xf32, #tpu.memory_space<vmem>>) dst(%dma_wait3A_182 : memref<640x64xf32, #tpu.memory_space<hbm>>)
    return
  }
}

</mosaic_0001>

<sc_bundles>
// kernel: kernel.3.cloned.1.call-start
scs
__scs_entry_jumppad:
0x0: {  	(pc) =	sbr.rel $0x88, $3  }
0x1: {  	(tag) =	ssettag $0x0;
	lr =	simm.s32 $0x1  }
0x2: {  	[smem:$0x3F9F] =	sst lr;
	_ =	strace $0xD0000000  }
0x3: {  	_ = 	snop  }
0x4: {  	_ = 	snop  }
0x5: {  	_ = 	snop  }
0x6: {  	_ = 	snop  }
0x7: {  	_ = 	snop  }
__scs_overlays_trampoline_lowered:
0x8: {  	[smem:$0x3FAE] =	sst s0  }
0x9: {  	[smem:$0x3FAF] =	sst s1  }
0xa: {  	[smem:$0x3FB0] =	sst s2  }
0xb: {  	[smem:$0x3FB1] =	sst s3  }
0xc: {  	[smem:$0x3FB2] =	sst s4  }
0xd: {  	[smem:$0x3FB3] =	sst s5  }
0xe: {  	[smem:$0x3FB4] =	sst s6  }
0xf: {  	[smem:$0x3FB5] =	sst s7  }
0x10: {  	[smem:$0x3FB6] =	sst s8  }
0x11: {  	[smem:$0x3FB7] =	sst s9;
	s0 =	simm.s32 @!p0 $0x0  }
0x12: {  	s1 =	sld [smem:$0x3F9D];
	s0 =	simm.s32 @p0 $0x1  }
0x13: {  	[smem:$0x3FB8] =	sst s0;
	s0 =	simm.s32 @!p1 $0x0  }
0x14: {  	s2 =	sld [smem:$0x3F9C];
	s0 =	simm.s32 @p1 $0x1  }
0x15: {  	[smem:$0x3FB9] =	sst s0;
	s0 =	simm.s32 @!p2 $0x0  }
0x16: {  	s3 =	sld [smem:$0x3FDB];
	s0 =	simm.s32 @p2 $0x1  }
0x17: {  	s4 =	simm.s32 $0x1BF5;
	[smem:$0x3FBB] =	sst s0  }
0x18: {  	s0 =	sld [smem:$0x3F9E];
	_ =	swait.ge [sflag:s4], $0x0  }
0x19: {  	s7 =	sld [smem:$0x3F9F]  }
0x1a: {  	s8 =	sadd.s32 $0xFFFFE003, lr  }
0x1b: {  	s9 =	sadd.s32 $0xFFFFFEF7, lr;
	s5 =	simm.s32 $0xFFFFFFFF;
	p2 =	slt.u32 s8, $0xFFFFF086  }
0x1c: {  	p1 =	slt.u32 s9, $0xF7A;
	s5 =	simm.s32 @!p2 $0x0  }
0x1d: {  	s5 =	simm.s32 @p1 $0x1;
	p0 =	seq.s32 s7, s2  }
0x1e: {  	s7 =	smul.u32 @!p0 $0xF7A, s2;
	p2 =	seq.s32 @!p0 s5, $0x0  }
0x1f: {  	s9 =	smul.u32 $0xF7A, s1;
	s8 =	simm.s32 @!p0 $0x1BF5;
	p2 =	por !p2, p0  }
0x20: {  	[sflag:s8] =	ssyncset.s32 @!p0 $0xFFFFF086;
	s6 =	sadd.s32 @!p0 s3, s7;
	s7 =	simm.s32 @!p0 $0x108  }
0x21: {  	s3 =	sadd.s32 s3, s9;
	s6 =	sadd.s32 @!p0 $0x88, s6;
	s7 =	simm.s32 @p2 $0x1082  }
0x22: {  	[simem:s7], [sflag:s8] =	dma.local @!p0 [hbm:s6], $0xF7A  }
0x23: {  	s9 =	sor.u32 $0xD0000000, s2;
	s6 =	simm.s32 $0x108;
	_ =	swait.ge @!p0 [sflag:s8], $0x0  }
0x24: {  	s3 =	sadd.s32 $0x88, s3;
	s6 =	simm.s32 @!p1 $0x1082;
	[sflag:s4] =	ssyncset.s32 $0xFFFFF086  }
0x25: {  	[simem:s6], [sflag:s4] =	dma.local [hbm:s3], $0xF7A  }
0x26: {  	[smem:$0x3F9F] =	sst s1;
	(tag) =	ssettag s2;
	_ =	strace s9  }
0x27: {  	s1 =	sld [smem:$0x3FAF]  }
0x28: {  	s2 =	sld [smem:$0x3FB0]  }
0x29: {  	s4 =	sld [smem:$0x3FB2]  }
0x2a: {  	p0 =	seq.s32 s5, $0x0;
	s5 =	sld [smem:$0x3FB3]  }
0x2b: {  	s6 =	sld [smem:$0x3FB4]  }
0x2c: {  	s7 =	sld [smem:$0x3FB5]  }
0x2d: {  	s3 =	simm.s32 $0x108;
	s8 =	sld [smem:$0x3FB6]  }
0x2e: {  	s3 =	simm.s32 @!p0 $0x1082;
	s9 =	sld [smem:$0x3FB7]  }
0x2f: {  	lr =	sadd.s32 s0, s3;
	s0 =	sld [smem:$0x3FAE]  }
0x30: {  	s3 =	sld [smem:$0x3FB1]  }
0x31: {  	[smem:$0x3FBA] =	sst s10  }
0x32: {  	s10 =	sld [smem:$0x3FB8];
	_ =	sdelay $0x3  }
0x33: {  	p0 =	seq.s32 s10, $0x1;
	s10 =	sld [smem:$0x3FBA];
	_ =	sdelay $0x3  }
0x34: {  	[smem:$0x3FBA] =	sst s10  }
0x35: {  	s10 =	sld [smem:$0x3FB9];
	_ =	sdelay $0x3  }
0x36: {  	p1 =	seq.s32 s10, $0x1;
	s10 =	sld [smem:$0x3FBA];
	_ =	sdelay $0x3  }
0x37: {  	[smem:$0x3FBA] =	sst s10  }
0x38: {  	s10 =	sld [smem:$0x3FBB]  }
0x39: {  	_ = 	snop;
	(pc) =	sbr.ind lr, $3  }
0x3a: {  	_ = 	snop  }
0x3b: {  	_ = 	snop  }
0x3c: {  	p2 =	seq.s32 s10, $0x1;
	s10 =	sld [smem:$0x3FBA]  }
0x3d: {  	_ =	shalt  }
0x3e: {  	_ =	shalt  }
0x3f: {  	_ =	shalt  }
0x40: {  	_ =	shalt  }
0x41: {  	_ =	shalt  }
0x42: {  	_ =	shalt  }
0x43: {  	_ =	shalt  }
0x44: {  	_ =	shalt  }
0x45: {  	_ =	shalt  }
0x46: {  	_ =	shalt  }
0x47: {  	_ =	shalt  }
0x48: {  	_ =	shalt  }
0x49: {  	_ =	shalt  }
0x4a: {  	_ =	shalt  }
0x4b: {  	_ =	shalt  }
0x4c: {  	_ =	shalt  }
0x4d: {  	_ =	shalt  }
0x4e: {  	_ =	shalt  }
0x4f: {  	_ =	shalt  }
0x50: {  	_ =	shalt  }
0x51: {  	_ =	shalt  }
0x52: {  	_ =	shalt  }
0x53: {  	_ =	shalt  }
0x54: {  	_ =	shalt  }
0x55: {  	_ =	shalt  }
0x56: {  	_ =	shalt  }
0x57: {  	_ =	shalt  }
0x58: {  	_ =	shalt  }
0x59: {  	_ =	shalt  }
0x5a: {  	_ =	shalt  }
0x5b: {  	_ =	shalt  }
0x5c: {  	_ =	shalt  }
0x5d: {  	_ =	shalt  }
0x5e: {  	_ =	shalt  }
0x5f: {  	_ =	shalt  }
0x60: {  	_ =	shalt  }
0x61: {  	_ =	shalt  }
0x62: {  	_ =	shalt  }
0x63: {  	_ =	shalt  }
0x64: {  	_ =	shalt  }
0x65: {  	_ =	shalt  }
0x66: {  	_ =	shalt  }
0x67: {  	_ =	shalt  }
0x68: {  	_ =	shalt  }
0x69: {  	_ =	shalt  }
0x6a: {  	_ =	shalt  }
0x6b: {  	_ =	shalt  }
0x6c: {  	_ =	shalt  }
0x6d: {  	_ =	shalt  }
0x6e: {  	_ =	shalt  }
0x6f: {  	_ =	shalt  }
0x70: {  	_ =	shalt  }
0x71: {  	_ =	shalt  }
0x72: {  	_ =	shalt  }
0x73: {  	_ =	shalt  }
0x74: {  	_ =	shalt  }
0x75: {  	_ =	shalt  }
0x76: {  	_ =	shalt  }
0x77: {  	_ =	shalt  }
0x78: {  	_ =	shalt  }
0x79: {  	_ =	shalt  }
0x7a: {  	_ =	shalt  }
0x7b: {  	_ =	shalt  }
0x7c: {  	_ =	shalt  }
0x7d: {  	_ =	shalt  }
0x7e: {  	_ =	shalt  }
0x7f: {  	_ =	shalt  }
0x80: {  	_ =	shalt  }
0x81: {  	_ =	shalt  }
0x82: {  	_ =	shalt  }
0x83: {  	_ =	shalt  }
0x84: {  	_ =	shalt  }
0x85: {  	_ =	shalt  }
0x86: {  	_ =	shalt  }
0x87: {  	_ =	shalt  }
.Lfunc_end0:
.L_simem_size_0:
called_computation.1_lowered:
.L_overlay_start_0:
0x88: {  	s2 =	sld [smem:$0x3FD9]  }
0x89: {  	s3 =	sld [smem:$0x3FFE];
	_ =	sdelay $0x1  }
0x8a: {  	s1 =	srdreg.scid  }
0x8b: {  	s0 =	sand.u32 $0x1, s1  }
0x8c: {  	s17 =	sshll.u32 s0, $0xA;
	s2 =	sadd.s32 s3, s2  }
0x8d: {  	s2 =	sadd.s32 s2, s17  }
0x8e: {  	[smem:$0x3FC6] =	sst s2  }
0x8f: {  	_ = 	snop  }
0x90: {  	s2 =	sld [smem:$0x3FD0];
	(tm) =	ssettm $0x1  }
0x91: {  	s18 =	sld [smem:$0x3FFB];
	_ =	sdelay $0x3  }
0x92: {  	_ =	strace s18  }
0x93: {  	s3 =	sld [smem:$0x3FFC];
	_ =	sdelay $0x3  }
0x94: {  	_ =	strace s3  }
0x95: {  	s3 =	sld [smem:$0x3FFD];
	_ =	sdelay $0x3  }
0x96: {  	_ =	strace s3  }
0x97: {  	_ =	strace $0x8FFFFFFF  }
0x98: {  	s19 =	sld [smem:$0x3FDB];
	_ =	sdelay $0x1  }
0x99: {  	s4 =	simm.s32 $_scs_section_size  }
0x9a: {  	s5 =	simm.s32 $_size__tile_overlayer_lowered;
	s6 =	simm.s32 $_tile_overlayer_lowered  }
0x9b: {  	s22 =	simm.s32 $0x1BFF;
	s21 =	sshll.u32 s6, $0x1;
	s3 =	sadd.s32 s4, s19  }
0x9c: {  	s7 =	simm.s32 $0x0;
	s20 =	sshll.u32 s5, $0x1;
	s5 =	sadd.s32 s21, s3  }
0x9d: {  	[timem:s7], [sflag:s22] =	dma.local [hbm:s5], s20  }
0x9e: {  	_ =	swait.ge [sflag:s22], s20  }
0x9f: {  	s4 =	ssub.s32 $0x0, s20;
	[sflag:s22] =	ssyncset.done $0x0  }
0xa0: {  	[sflag:s22] =	ssyncadd.s32 s4;
	_ =	sdelay $0x1  }
0xa1: {  	s23 =	simm.s32 $0x1B8B  }
0xa2: {  	_ =	swait.ge [sflag:s23], $0x1  }
0xa3: {  	[sflag:s23] =	ssyncset.done $0x0  }
0xa4: {  	s25 =	simm.s32 $0x1B8E;
	s24 =	sld [smem:$0x3FFE];
	[sflag:s23] =	ssyncadd.s32 $0xFFFFFFFF  }
0xa5: {  	s26 =	simm.s32 $execute0_lowered;
	[smem:$0x3FD2] =	sst s25  }
0xa6: {  	s5 =	sshll.u32 s26, $0x1;
	_ =	strace $0x80000046;
	[dreg:$0x1] =	wrdreg $0xFFFFFFFF  }
0xa7: {  	s28 =	simm.s32 $_size_execute0_lowered;
	s3 =	sadd.s32 s3, s5;
	[dreg:$0x0] =	wrdreg $0x0  }
0xa8: {  	s5 =	sshll.u32 s28, $0x1;
	[dreg:$0x2] =	wrdreg s3  }
0xa9: {  	[dreg:$0x3] =	wrdreg s5  }
0xaa: {  	[dreg:$0x4] =	wrdreg $0xC0  }
0xab: {  	_ =	task [dreg:s7], $0x5FFFF  }
0xac: {  	[dreg:$0x1] =	wrdreg $0xFFFFFFFF  }
0xad: {  	[dreg:$0x0] =	wrdreg $0x60  }
0xae: {  	[dreg:$0x2] =	wrdreg s24  }
0xaf: {  	[dreg:$0x3] =	wrdreg s2  }
0xb0: {  	[dreg:$0x4] =	wrdreg $0x9  }
0xb1: {  	_ =	task.clear_ibuf [dreg:s7], $0x5FFFF;
	_ =	strace $0x90000046  }
0xb2: {  	s29 =	simm.s32 $0x9;
	_ =	strace $0x80000048  }
0xb3: {  	_ =	swait.ge [sflag:s29], $0x1  }
0xb4: {  	[sflag:s29] =	ssyncadd.s32 $0xFFFFFFFF  }
0xb5: {  	_ =	strace $0x90000048  }
0xb6: {  	_ =	sfence  }
0xb7: {  	s30 =	sld [smem:$0x0];
	_ =	sdelay $0x2  }
0xb8: {  	s31 =	sshll.u32 s1, $0xD;
	s1 =	sshrl.u32 s1, $0x2  }
0xb9: {  	s3 =	sand.u32 $0x4000, s31;
	s1 =	sadd.s32 s1, s30  }
0xba: {  	s0 =	sor.u32 s3, s0;
	s1 =	sshll.u32 s1, $0x11  }
0xbb: {  	s0 =	sor.u32 s1, s0  }
0xbc: {  	s0 =	sadd.s32 $0x8F2B, s0  }
0xbd: {  	[sflag:s0] =	ssyncadd.remote.s32 $0x1  }
0xbe: {  	_ =	sfence.sel $0xFFFF  }
0xbf: {  	[dreg:$0x0] =	wrdreg $0xFFFFFFFF;
	(pc) =	sbr.abs _section_cstart, $3  }
0xc0: {  	[dreg:$0x1] =	wrdreg $0xFFFFFFFF  }
0xc1: {  	_ =	task.clear_ibuf [dreg:s7], $0x2FFFF;
	_ =	strace $0x9FFFFFFF  }
0xc2: {  	(tm) =	ssettm $0x7FFFFFFF  }
0xc3: {  	_ =	shalt  }
tec
execute0_lowered:
.L_overlay_start_1:
0x0: {  	(tag) =	ssettag $0x1  }
0x1: {  	s3 =	rddreg [dreg:$0x0]  }
0x2: {  	s4 =	rddreg [dreg:$0x1];
	s2 =	simm.s32 $0x0  }
0x3: {  	s10 =	simm.s32 $0x100;
	[smem:$0x7FF] =	sst s2  }
0x4: {  	s11 =	simm.s32 $0x180;
	_ =	strace $0x80000047;
	[dreg:$0xd] =	wrdreg s10  }
0x5: {  	s12 =	simm.s32 $0x200;
	[dreg:$0xe] =	wrdreg s11  }
0x6: {  	s13 =	simm.s32 $0x280;
	[dreg:$0xf] =	wrdreg s12  }
0x7: {  	s14 =	simm.s32 $0x300;
	[dreg:$0x10] =	wrdreg s13  }
0x8: {  	s15 =	simm.s32 $0x380;
	[dreg:$0x11] =	wrdreg s14  }
0x9: {  	s16 =	simm.s32 $0x400;
	[dreg:$0x12] =	wrdreg s15  }
0xa: {  	s17 =	simm.s32 $0x480;
	[dreg:$0x13] =	wrdreg s16  }
0xb: {  	s0 =	srdreg.scid;
	s19 =	simm.s32 $0x500;
	[dreg:$0x14] =	wrdreg s17  }
0xc: {  	s18 =	stileid.u32;
	s20 =	simm.s32 $0x580;
	[dreg:$0x15] =	wrdreg s19  }
0xd: {  	s21 =	simm.s32 $0x600;
	s22 =	simm.s32 $0x680;
	[dreg:$0x16] =	wrdreg s20  }
0xe: {  	s1 =	sand.u32 $0x1, s0;
	s23 =	sshll.u32 s18, $0x1;
	[dreg:$0x17] =	wrdreg s21  }
0xf: {  	s0 =	sor.u32 s1, s23;
	[dreg:$0x18] =	wrdreg s22;
	s23 =	simm.s32 $0x700  }
0x10: {  	s10 =	simm.s32 $0xB80;
	[dreg:$0x19] =	wrdreg s23  }
0x11: {  	s11 =	simm.s32 $0xC00;
	[smem:$0x7EE] =	sst s10  }
0x12: {  	s12 =	simm.s32 $0xC80;
	[smem:$0x7EF] =	sst s11  }
0x13: {  	s31 =	simm.s32 $0x4;
	s13 =	simm.s32 $0xD00;
	[smem:$0x7F0] =	sst s12  }
0x14: {  	s28 =	simm.s32 $0x1580;
	s14 =	simm.s32 $0xD80;
	[smem:$0x7F1] =	sst s13  }
0x15: {  	p0 =	por $0x0, $0x0;
	s15 =	simm.s32 $0xE00;
	[smem:$0x7F2] =	sst s14  }
0x16: {  	s29 =	simm.s32 $0x1600;
	s16 =	simm.s32 $0xE80;
	[smem:$0x7F3] =	sst s15  }
0x17: {  	s1 =	ssub.s32 $0x2, s1;
	s17 =	simm.s32 $0xF00;
	[smem:$0x7F4] =	sst s16  }
0x18: {  	s19 =	simm.s32 $0xF80;
	s20 =	simm.s32 $0x1000;
	[smem:$0x7F5] =	sst s17  }
0x19: {  	s21 =	simm.s32 $0x1080;
	s5 =	smul.u32 $0x320, s0;
	[smem:$0x7F6] =	sst s19  }
0x1a: {  	s22 =	simm.s32 $0x1100;
	s6 =	smul.u32 $0x64000, s0;
	[smem:$0x7F7] =	sst s20  }
0x1b: {  	s0 =	smul.u32 $0xC800, s0;
	s10 =	simm.s32 $0x7900;
	[smem:$0x7F8] =	sst s21  }
0x1c: {  	s13 =	simm.s32 $0x9900;
	s12 =	simm.s32 $0xD900;
	[smem:$0x7F9] =	sst s22  }
0x1d: {  	s23 =	simm.s32 $0x1180;
	s15 =	simm.s32 $0xF900;
	s5 =	sadd.s32 s5, s3  }
0x1e: {  	[smem:$0x7FA] =	sst s23;
	s30 =	sadd.s32 s4, s0;
	s5 =	sadd.s32 $0xA00, s5  }
0x1f: {  	s16 =	simm.s32 $0x11900;
	s25 =	sadd.s32 $0x1400, s30;
	[dreg:$0x3] =	wrdreg s5  }
0x20: {  	s6 =	sshrl.u32 s6, $0x3;
	s26 =	sadd.s32 $0x2800, s30;
	[dreg:$0x5] =	wrdreg s25  }
0x21: {  	s6 =	sadd.s32 s4, s6;
	s4 =	sadd.s32 $0x3C00, s30;
	[dreg:$0x6] =	wrdreg s26  }
0x22: {  	s17 =	simm.s32 $0x13900;
	s7 =	sadd.s32 $0x7800, s30;
	[dreg:$0x7] =	wrdreg s4  }
0x23: {  	s14 =	simm.s32 $0x2;
	s8 =	sadd.s32 $0x8C00, s30;
	[dreg:$0xa] =	wrdreg s7  }
0x24: {  	s11 =	simm.s32 $0x3;
	s9 =	sadd.s32 $0xA000, s30;
	[dreg:$0xb] =	wrdreg s8  }
0x25: {  	s19 =	simm.s32 $0x1680;
	s24 =	sadd.s32 $0xB400, s6;
	[dreg:$0xc] =	wrdreg s9  }
0x26: {  	s20 =	simm.s32 $0x1700;
	s5 =	sadd.s32 $0x5000, s30;
	[dreg:$0x4] =	wrdreg s24  }
0x27: {  	s21 =	simm.s32 $0x1780;
	s6 =	sadd.s32 $0x6400, s30;
	[dreg:$0x8] =	wrdreg s5  }
0x28: {  	s22 =	simm.s32 $0x1800;
	s25 =	simm.s32 $0x800;
	[dreg:$0x9] =	wrdreg s6  }
0x29: {  	s23 =	simm.s32 $0x1880;
	s26 =	simm.s32 $0x880;
	[dreg:$0x1b] =	wrdreg s25  }
0x2a: {  	s3 =	sadd.s32 $0xF42E00, s3;
	s4 =	simm.s32 $0x900;
	[dreg:$0x1c] =	wrdreg s26  }
0x2b: {  	s7 =	simm.s32 $0xA80;
	s8 =	simm.s32 $0xB00;
	[dreg:$0x1d] =	wrdreg s4  }
0x2c: {  	s9 =	sshrl.u32 s1, $0x1;
	s24 =	simm.s32 $0x780;
	[smem:$0x7EC] =	sst s7  }
0x2d: {  	s5 =	simm.s32 $0x980;
	s6 =	simm.s32 $0xA00;
	[smem:$0x7ED] =	sst s8  }
0x2e: {  	s1 =	ssub.s32 s1, s9;
	s4 =	simm.s32 $0x80;
	s8 =	simm.s32 $0x3900  }
0x2f: {  	s9 =	simm.s32 $0x5900;
	s0 =	rddreg [dreg:$0x3];
	s1 =	smax.u32 s1, $0x1  }
0x30: {  	s7 =	simm.s32 $0xB900;
	[dreg:$0x1a] =	wrdreg s24;
	p1 =	sne.s32 s1, $0x1  }
.Ltmp0:
0x31: {  	s25 =	simm.s32 $0x1280;
	[dreg:$0x1e] =	wrdreg s5;
	(pc) =	sbr.rel @!p1 .LBB2_1-.Ltmp0, $4  }
0x32: {  	s26 =	simm.s32 $0x1300;
	[dreg:$0x1f] =	wrdreg s6;
	s5 =	simm.s32 $0x1900  }
0x33: {  	s6 =	simm.s32 $0x1;
	s24 =	simm.s32 $0x1200;
	[smem:$0x7FC] =	sst s25  }
0x34: {  	[smem:$0x7FD] =	sst s26;
	s25 =	simm.s32 $0x1480;
	s26 =	simm.s32 $0x1500  }
0x35: {  	[smem:$0x7FB] =	sst s24;
	s24 =	simm.s32 $0x1380;
	s1 =	sadd.s32 $0xFFFFFFFF, s1  }
0x36: {  	[tilespmem:s2], [sflag:$0x4] =	stream.linear.gather [hbm4b:s0+s2], $0x1900, $0x38;
	[tilespmem:$0x15900] =	vst v63  }
0x37: {  	_ =	swait.ge [sflag:s31], $0x1900  }
0x38: {  	[sflag:s31] =	ssyncset.done $0x0  }
0x39: {  	[sflag:s31] =	ssyncadd.s32 $0xFFFFE700  }
0x3a: {  	[tilespmem:s5], [sflag:$0x1] =	stream.indirect.gather [hbm4b:s3+s4], $0x40, s2, s4, $0xb8;
	[tilespmem:$0x15900] =	vst v63  }
0x3b: {  	_ = 	snop  }
0x3c: {  	[tilespmem:s8], [sflag:$0x1] =	stream.indirect.gather [hbm4b:s3+s4], $0x40, s4, s4, $0xb8;
	[tilespmem:$0x15900] =	vst v63  }
0x3d: {  	s0 =	rddreg [dreg:$0xd]  }
0x3e: {  	[tilespmem:s9], [sflag:$0x1] =	stream.indirect.gather [hbm4b:s3+s4], $0x40, s0, s4, $0xb8;
	[tilespmem:$0x15900] =	vst v63  }
0x3f: {  	s18 =	smov.u32 s1;
	s1 =	rddreg [dreg:$0xe]  }
0x40: {  	[tilespmem:s10], [sflag:$0x1] =	stream.indirect.gather [hbm4b:s3+s4], $0x40, s1, s4, $0xb8;
	[tilespmem:$0x15900] =	vst v63  }
0x41: {  	s0 =	rddreg [dreg:$0xf]  }
0x42: {  	[tilespmem:s13], [sflag:$0x1] =	stream.indirect.gather [hbm4b:s3+s4], $0x40, s0, s4, $0xb8;
	[tilespmem:$0x15900] =	vst v63  }
0x43: {  	_ =	swait.ge [sflag:s6], $0xA000  }
0x44: {  	[sflag:s6] =	ssyncset.done $0x0  }
0x45: {  	[sflag:s6] =	ssyncadd.s32 $0xFFFF6000  }
0x46: {  	[hbm4b:s30+s2] =	stream.linear.scatter [tilespmem:s5], [sflag:$0x2], $0xA000, $0x38;
	[tilespmem:$0x15900] =	vst v63  }
0x47: {  	s0 =	rddreg [dreg:$0x10]  }
0x48: {  	[tilespmem:s7], [sflag:$0x1] =	stream.indirect.gather [hbm4b:s3+s4], $0x40, s0, s4, $0xb8;
	[tilespmem:$0x15900] =	vst v63  }
0x49: {  	s1 =	rddreg [dreg:$0x11]  }
0x4a: {  	[tilespmem:s12], [sflag:$0x1] =	stream.indirect.gather [hbm4b:s3+s4], $0x40, s1, s4, $0xb8;
	[tilespmem:$0x15900] =	vst v63  }
0x4b: {  	s0 =	rddreg [dreg:$0x12]  }
0x4c: {  	[tilespmem:s15], [sflag:$0x1] =	stream.indirect.gather [hbm4b:s3+s4], $0x40, s0, s4, $0xb8;
	[tilespmem:$0x15900] =	vst v63  }
0x4d: {  	s1 =	rddreg [dreg:$0x13]  }
0x4e: {  	[tilespmem:s16], [sflag:$0x1] =	stream.indirect.gather [hbm4b:s3+s4], $0x40, s1, s4, $0xb8;
	[tilespmem:$0x15900] =	vst v63  }
0x4f: {  	s0 =	rddreg [dreg:$0x14]  }
0x50: {  	[tilespmem:s17], [sflag:$0x1] =	stream.indirect.gather [hbm4b:s3+s4], $0x40, s0, s4, $0xb8;
	[tilespmem:$0x15900] =	vst v63  }
0x51: {  	_ =	swait.ge [sflag:s6], $0xA000  }
0x52: {  	[sflag:s6] =	ssyncset.done $0x0  }
0x53: {  	s1 =	rddreg [dreg:$0x5];
	[sflag:s6] =	ssyncadd.s32 $0xFFFF6000  }
0x54: {  	[hbm4b:s1+s2] =	stream.linear.scatter [tilespmem:s7], [sflag:$0x3], $0xA000, $0x38;
	[tilespmem:$0x15900] =	vst v63  }
0x55: {  	_ =	swait.ge [sflag:s14], $0xA000  }
0x56: {  	[sflag:s14] =	ssyncset.done $0x0  }
0x57: {  	s0 =	rddreg [dreg:$0x15];
	[sflag:s14] =	ssyncadd.s32 $0xFFFF6000  }
0x58: {  	[tilespmem:s5], [sflag:$0x1] =	stream.indirect.gather [hbm4b:s3+s4], $0x40, s0, s4, $0xb8;
	[tilespmem:$0x15900] =	vst v63  }
0x59: {  	s1 =	rddreg [dreg:$0x16]  }
0x5a: {  	[tilespmem:s8], [sflag:$0x1] =	stream.indirect.gather [hbm4b:s3+s4], $0x40, s1, s4, $0xb8;
	[tilespmem:$0x15900] =	vst v63  }
0x5b: {  	s0 =	rddreg [dreg:$0x17]  }
0x5c: {  	[tilespmem:s9], [sflag:$0x1] =	stream.indirect.gather [hbm4b:s3+s4], $0x40, s0, s4, $0xb8;
	[tilespmem:$0x15900] =	vst v63  }
0x5d: {  	s1 =	rddreg [dreg:$0x18]  }
0x5e: {  	[tilespmem:s10], [sflag:$0x1] =	stream.indirect.gather [hbm4b:s3+s4], $0x40, s1, s4, $0xb8;
	[tilespmem:$0x15900] =	vst v63  }
0x5f: {  	s0 =	rddreg [dreg:$0x19]  }
0x60: {  	[tilespmem:s13], [sflag:$0x1] =	stream.indirect.gather [hbm4b:s3+s4], $0x40, s0, s4, $0xb8;
	[tilespmem:$0x15900] =	vst v63  }
0x61: {  	_ =	swait.ge [sflag:s6], $0xA000  }
0x62: {  	[sflag:s6] =	ssyncset.done $0x0  }
0x63: {  	s1 =	rddreg [dreg:$0x6];
	[sflag:s6] =	ssyncadd.s32 $0xFFFF6000  }
0x64: {  	[hbm4b:s1+s2] =	stream.linear.scatter [tilespmem:s5], [sflag:$0x2], $0xA000, $0x38;
	[tilespmem:$0x15900] =	vst v63  }
0x65: {  	_ =	swait.ge [sflag:s11], $0xA000  }
0x66: {  	[sflag:s11] =	ssyncset.done $0x0  }
0x67: {  	s0 =	rddreg [dreg:$0x1a];
	[sflag:s11] =	ssyncadd.s32 $0xFFFF6000  }
0x68: {  	[tilespmem:s7], [sflag:$0x1] =	stream.indirect.gather [hbm4b:s3+s4], $0x40, s0, s4, $0xb8;
	[tilespmem:$0x15900] =	vst v63  }
0x69: {  	s1 =	rddreg [dreg:$0x1b]  }
0x6a: {  	[tilespmem:s12], [sflag:$0x1] =	stream.indirect.gather [hbm4b:s3+s4], $0x40, s1, s4, $0xb8;
	[tilespmem:$0x15900] =	vst v63  }
0x6b: {  	s0 =	rddreg [dreg:$0x1c]  }
0x6c: {  	[tilespmem:s15], [sflag:$0x1] =	stream.indirect.gather [hbm4b:s3+s4], $0x40, s0, s4, $0xb8;
	[tilespmem:$0x15900] =	vst v63  }
0x6d: {  	s1 =	rddreg [dreg:$0x1d]  }
0x6e: {  	[tilespmem:s16], [sflag:$0x1] =	stream.indirect.gather [hbm4b:s3+s4], $0x40, s1, s4, $0xb8;
	[tilespmem:$0x15900] =	vst v63  }
0x6f: {  	s0 =	rddreg [dreg:$0x1e]  }
0x70: {  	[tilespmem:s17], [sflag:$0x1] =	stream.indirect.gather [hbm4b:s3+s4], $0x40, s0, s4, $0xb8;
	[tilespmem:$0x15900] =	vst v63  }
0x71: {  	_ =	swait.ge [sflag:s6], $0xA000  }
0x72: {  	[sflag:s6] =	ssyncset.done $0x0  }
0x73: {  	s1 =	rddreg [dreg:$0x7];
	[sflag:s6] =	ssyncadd.s32 $0xFFFF6000  }
0x74: {  	[hbm4b:s1+s2] =	stream.linear.scatter [tilespmem:s7], [sflag:$0x3], $0xA000, $0x38;
	[tilespmem:$0x15900] =	vst v63  }
0x75: {  	_ =	swait.ge [sflag:s14], $0xA000  }
0x76: {  	s0 =	rddreg [dreg:$0x1f];
	[sflag:s14] =	ssyncset.done $0x0  }
0x77: {  	s1 =	sld [smem:$0x7EC];
	[sflag:s14] =	ssyncadd.s32 $0xFFFF6000  }
0x78: {  	[tilespmem:s5], [sflag:$0x1] =	stream.indirect.gather [hbm4b:s3+s4], $0x40, s0, s4, $0xb8;
	[tilespmem:$0x15900] =	vst v63  }
0x79: {  	s0 =	sld [smem:$0x7ED]  }
0x7a: {  	[tilespmem:s8], [sflag:$0x1] =	stream.indirect.gather [hbm4b:s3+s4], $0x40, s1, s4, $0xb8;
	[tilespmem:$0x15900] =	vst v63  }
0x7b: {  	s1 =	sld [smem:$0x7EE]  }
0x7c: {  	[tilespmem:s9], [sflag:$0x1] =	stream.indirect.gather [hbm4b:s3+s4], $0x40, s0, s4, $0xb8;
	[tilespmem:$0x15900] =	vst v63  }
0x7d: {  	s0 =	sld [smem:$0x7EF]  }
0x7e: {  	[tilespmem:s10], [sflag:$0x1] =	stream.indirect.gather [hbm4b:s3+s4], $0x40, s1, s4, $0xb8;
	[tilespmem:$0x15900] =	vst v63  }
0x7f: {  	_ = 	snop  }
0x80: {  	[tilespmem:s13], [sflag:$0x1] =	stream.indirect.gather [hbm4b:s3+s4], $0x40, s0, s4, $0xb8;
	[tilespmem:$0x15900] =	vst v63  }
0x81: {  	_ =	swait.ge [sflag:s6], $0xA000  }
0x82: {  	[sflag:s6] =	ssyncset.done $0x0  }
0x83: {  	s1 =	rddreg [dreg:$0x8];
	[sflag:s6] =	ssyncadd.s32 $0xFFFF6000  }
0x84: {  	[hbm4b:s1+s2] =	stream.linear.scatter [tilespmem:s5], [sflag:$0x2], $0xA000, $0x38;
	[tilespmem:$0x15900] =	vst v63  }
0x85: {  	_ =	swait.ge [sflag:s11], $0xA000  }
0x86: {  	s0 =	sld [smem:$0x7F0]  }
0x87: {  	[sflag:s11] =	ssyncset.done $0x0  }
0x88: {  	s1 =	sld [smem:$0x7F1];
	[sflag:s11] =	ssyncadd.s32 $0xFFFF6000  }
0x89: {  	[tilespmem:s7], [sflag:$0x1] =	stream.indirect.gather [hbm4b:s3+s4], $0x40, s0, s4, $0xb8;
	[tilespmem:$0x15900] =	vst v63  }
0x8a: {  	s0 =	sld [smem:$0x7F2]  }
0x8b: {  	[tilespmem:s12], [sflag:$0x1] =	stream.indirect.gather [hbm4b:s3+s4], $0x40, s1, s4, $0xb8;
	[tilespmem:$0x15900] =	vst v63  }
0x8c: {  	s1 =	sld [smem:$0x7F3]  }
0x8d: {  	[tilespmem:s15], [sflag:$0x1] =	stream.indirect.gather [hbm4b:s3+s4], $0x40, s0, s4, $0xb8;
	[tilespmem:$0x15900] =	vst v63  }
0x8e: {  	s0 =	sld [smem:$0x7F4]  }
0x8f: {  	[tilespmem:s16], [sflag:$0x1] =	stream.indirect.gather [hbm4b:s3+s4], $0x40, s1, s4, $0xb8;
	[tilespmem:$0x15900] =	vst v63  }
0x90: {  	_ = 	snop  }
0x91: {  	[tilespmem:s17], [sflag:$0x1] =	stream.indirect.gather [hbm4b:s3+s4], $0x40, s0, s4, $0xb8;
	[tilespmem:$0x15900] =	vst v63  }
0x92: {  	_ =	swait.ge [sflag:s6], $0xA000  }
0x93: {  	[sflag:s6] =	ssyncset.done $0x0  }
0x94: {  	s1 =	rddreg [dreg:$0x9];
	[sflag:s6] =	ssyncadd.s32 $0xFFFF6000  }
0x95: {  	[hbm4b:s1+s2] =	stream.linear.scatter [tilespmem:s7], [sflag:$0x3], $0xA000, $0x38;
	[tilespmem:$0x15900] =	vst v63  }
0x96: {  	_ =	swait.ge [sflag:s14], $0xA000  }
0x97: {  	s0 =	sld [smem:$0x7F5]  }
0x98: {  	[sflag:s14] =	ssyncset.done $0x0  }
0x99: {  	s1 =	sld [smem:$0x7F6];
	[sflag:s14] =	ssyncadd.s32 $0xFFFF6000  }
0x9a: {  	[tilespmem:s5], [sflag:$0x1] =	stream.indirect.gather [hbm4b:s3+s4], $0x40, s0, s4, $0xb8;
	[tilespmem:$0x15900] =	vst v63  }
0x9b: {  	s0 =	sld [smem:$0x7F7]  }
0x9c: {  	[tilespmem:s8], [sflag:$0x1] =	stream.indirect.gather [hbm4b:s3+s4], $0x40, s1, s4, $0xb8;
	[tilespmem:$0x15900] =	vst v63  }
0x9d: {  	s1 =	sld [smem:$0x7F8]  }
0x9e: {  	[tilespmem:s9], [sflag:$0x1] =	stream.indirect.gather [hbm4b:s3+s4], $0x40, s0, s4, $0xb8;
	[tilespmem:$0x15900] =	vst v63  }
0x9f: {  	s0 =	sld [smem:$0x7F9]  }
0xa0: {  	[tilespmem:s10], [sflag:$0x1] =	stream.indirect.gather [hbm4b:s3+s4], $0x40, s1, s4, $0xb8;
	[tilespmem:$0x15900] =	vst v63  }
0xa1: {  	_ = 	snop  }
0xa2: {  	[tilespmem:s13], [sflag:$0x1] =	stream.indirect.gather [hbm4b:s3+s4], $0x40, s0, s4, $0xb8;
	[tilespmem:$0x15900] =	vst v63  }
0xa3: {  	_ =	swait.ge [sflag:s6], $0xA000  }
0xa4: {  	[sflag:s6] =	ssyncset.done $0x0  }
0xa5: {  	s1 =	rddreg [dreg:$0xa];
	[sflag:s6] =	ssyncadd.s32 $0xFFFF6000  }
0xa6: {  	[hbm4b:s1+s2] =	stream.linear.scatter [tilespmem:s5], [sflag:$0x2], $0xA000, $0x38;
	[tilespmem:$0x15900] =	vst v63  }
0xa7: {  	_ =	swait.ge [sflag:s11], $0xA000  }
0xa8: {  	s0 =	sld [smem:$0x7FA]  }
0xa9: {  	[sflag:s11] =	ssyncset.done $0x0  }
0xaa: {  	s1 =	sld [smem:$0x7FB];
	[sflag:s11] =	ssyncadd.s32 $0xFFFF6000  }
0xab: {  	[tilespmem:s7], [sflag:$0x1] =	stream.indirect.gather [hbm4b:s3+s4], $0x40, s0, s4, $0xb8;
	[tilespmem:$0x15900] =	vst v63  }
0xac: {  	s0 =	sld [smem:$0x7FC]  }
0xad: {  	[tilespmem:s12], [sflag:$0x1] =	stream.indirect.gather [hbm4b:s3+s4], $0x40, s1, s4, $0xb8;
	[tilespmem:$0x15900] =	vst v63  }
0xae: {  	s1 =	sld [smem:$0x7FD]  }
0xaf: {  	[tilespmem:s15], [sflag:$0x1] =	stream.indirect.gather [hbm4b:s3+s4], $0x40, s0, s4, $0xb8;
	[tilespmem:$0x15900] =	vst v63  }
0xb0: {  	_ = 	snop  }
0xb1: {  	[tilespmem:s16], [sflag:$0x1] =	stream.indirect.gather [hbm4b:s3+s4], $0x40, s1, s4, $0xb8;
	[tilespmem:$0x15900] =	vst v63  }
0xb2: {  	_ = 	snop  }
0xb3: {  	[tilespmem:s17], [sflag:$0x1] =	stream.indirect.gather [hbm4b:s3+s4], $0x40, s24, s4, $0xb8;
	[tilespmem:$0x15900] =	vst v63  }
0xb4: {  	_ =	swait.ge [sflag:s6], $0xA000  }
0xb5: {  	[sflag:s6] =	ssyncset.done $0x0  }
0xb6: {  	s1 =	rddreg [dreg:$0xb];
	[sflag:s6] =	ssyncadd.s32 $0xFFFF6000  }
0xb7: {  	[hbm4b:s1+s2] =	stream.linear.scatter [tilespmem:s7], [sflag:$0x3], $0xA000, $0x38;
	[tilespmem:$0x15900] =	vst v63  }
0xb8: {  	_ =	swait.ge [sflag:s14], $0xA000  }
0xb9: {  	[sflag:s14] =	ssyncset.done $0x0  }
0xba: {  	s1 =	simm.s32 $0x1400;
	[sflag:s14] =	ssyncadd.s32 $0xFFFF6000  }
0xbb: {  	[tilespmem:s5], [sflag:$0x1] =	stream.indirect.gather [hbm4b:s3+s4], $0x40, s1, s4, $0xb8;
	[tilespmem:$0x15900] =	vst v63  }
0xbc: {  	_ = 	snop  }
0xbd: {  	[tilespmem:s8], [sflag:$0x1] =	stream.indirect.gather [hbm4b:s3+s4], $0x40, s25, s4, $0xb8;
	[tilespmem:$0x15900] =	vst v63  }
0xbe: {  	_ = 	snop  }
0xbf: {  	[tilespmem:s9], [sflag:$0x1] =	stream.indirect.gather [hbm4b:s3+s4], $0x40, s26, s4, $0xb8;
	[tilespmem:$0x15900] =	vst v63  }
0xc0: {  	_ = 	snop  }
0xc1: {  	[tilespmem:s10], [sflag:$0x1] =	stream.indirect.gather [hbm4b:s3+s4], $0x40, s28, s4, $0xb8;
	[tilespmem:$0x15900] =	vst v63  }
0xc2: {  	_ = 	snop  }
0xc3: {  	[tilespmem:s13], [sflag:$0x1] =	stream.indirect.gather [hbm4b:s3+s4], $0x40, s29, s4, $0xb8;
	[tilespmem:$0x15900] =	vst v63  }
0xc4: {  	_ =	swait.ge [sflag:s6], $0xA000  }
0xc5: {  	[sflag:s6] =	ssyncset.done $0x0  }
0xc6: {  	s1 =	rddreg [dreg:$0xc];
	[sflag:s6] =	ssyncadd.s32 $0xFFFF6000  }
0xc7: {  	[hbm4b:s1+s2] =	stream.linear.scatter [tilespmem:s5], [sflag:$0x2], $0xA000, $0x38;
	[tilespmem:$0x15900] =	vst v63  }
0xc8: {  	_ =	swait.ge [sflag:s11], $0xA000  }
0xc9: {  	[sflag:s11] =	ssyncset.done $0x0  }
0xca: {  	[sflag:s11] =	ssyncadd.s32 $0xFFFF6000  }
0xcb: {  	[tilespmem:s7], [sflag:$0x1] =	stream.indirect.gather [hbm4b:s3+s4], $0x40, s19, s4, $0xb8;
	[tilespmem:$0x15900] =	vst v63  }
0xcc: {  	_ = 	snop  }
0xcd: {  	[tilespmem:s12], [sflag:$0x1] =	stream.indirect.gather [hbm4b:s3+s4], $0x40, s20, s4, $0xb8;
	[tilespmem:$0x15900] =	vst v63  }
0xce: {  	_ = 	snop  }
0xcf: {  	[tilespmem:s15], [sflag:$0x1] =	stream.indirect.gather [hbm4b:s3+s4], $0x40, s21, s4, $0xb8;
	[tilespmem:$0x15900] =	vst v63  }
0xd0: {  	_ = 	snop  }
0xd1: {  	[tilespmem:s16], [sflag:$0x1] =	stream.indirect.gather [hbm4b:s3+s4], $0x40, s22, s4, $0xb8;
	[tilespmem:$0x15900] =	vst v63  }
0xd2: {  	_ = 	snop  }
0xd3: {  	[tilespmem:s17], [sflag:$0x1] =	stream.indirect.gather [hbm4b:s3+s4], $0x40, s23, s4, $0xb8;
	[tilespmem:$0x15900] =	vst v63  }
0xd4: {  	_ =	swait.ge [sflag:s6], $0xA000  }
0xd5: {  	[sflag:s6] =	ssyncset.done $0x0  }
0xd6: {  	p1 =	sne.s32 s18, $0x1;
	s1 =	rddreg [dreg:$0x4];
	[sflag:s6] =	ssyncadd.s32 $0xFFFF6000  }
0xd7: {  	[hbm4b:s1+s2] =	stream.linear.scatter [tilespmem:s7], [sflag:$0x3], $0xA000, $0x38;
	[tilespmem:$0x15900] =	vst v63  }
.Ltmp1:
0xd8: {  	_ =	swait.ge [sflag:s14], $0xA000;
	(pc) =	sbr.rel @!p1 .LBB2_3-.Ltmp1, $4  }
0xd9: {  	[sflag:s14] =	ssyncset.done $0x0  }
0xda: {  	[sflag:s14] =	ssyncadd.s32 $0xFFFF6000  }
0xdb: {  	p0 =	por $0x1, $0x1;
	_ =	swait.ge [sflag:s11], $0xA000  }
0xdc: {  	s1 =	sadd.s32 $0xFFFFFFFF, s18;
	s0 =	rddreg [dreg:$0x3];
	[sflag:s11] =	ssyncset.done $0x0  }
.LBB2_4:
0xdd: {  	[sflag:s11] =	ssyncadd.s32 $0xFFFF6000  }
0xde: {  	[tilespmem:s2], [sflag:$0x4] =	stream.linear.gather [hbm4b:s0+s2], $0x1900, $0x38;
	[tilespmem:$0x15900] =	vst v63  }
0xdf: {  	_ =	swait.ge [sflag:s31], $0x1900  }
0xe0: {  	[sflag:s31] =	ssyncset.done $0x0  }
0xe1: {  	[sflag:s31] =	ssyncadd.s32 $0xFFFFE700  }
0xe2: {  	[tilespmem:s5], [sflag:$0x1] =	stream.indirect.gather [hbm4b:s3+s4], $0x40, s2, s4, $0xb8;
	[tilespmem:$0x15900] =	vst v63  }
0xe3: {  	_ = 	snop  }
0xe4: {  	[tilespmem:s8], [sflag:$0x1] =	stream.indirect.gather [hbm4b:s3+s4], $0x40, s4, s4, $0xb8;
	[tilespmem:$0x15900] =	vst v63  }
0xe5: {  	s0 =	rddreg [dreg:$0xd]  }
0xe6: {  	[tilespmem:s9], [sflag:$0x1] =	stream.indirect.gather [hbm4b:s3+s4], $0x40, s0, s4, $0xb8;
	[tilespmem:$0x15900] =	vst v63  }
0xe7: {  	s18 =	rddreg [dreg:$0xe]  }
0xe8: {  	[tilespmem:s10], [sflag:$0x1] =	stream.indirect.gather [hbm4b:s3+s4], $0x40, s18, s4, $0xb8;
	[tilespmem:$0x15900] =	vst v63  }
0xe9: {  	s0 =	rddreg [dreg:$0xf]  }
0xea: {  	[tilespmem:s13], [sflag:$0x1] =	stream.indirect.gather [hbm4b:s3+s4], $0x40, s0, s4, $0xb8;
	[tilespmem:$0x15900] =	vst v63  }
0xeb: {  	_ =	swait.ge [sflag:s6], $0xA000  }
0xec: {  	[sflag:s6] =	ssyncset.done $0x0  }
0xed: {  	[sflag:s6] =	ssyncadd.s32 $0xFFFF6000  }
0xee: {  	[hbm4b:s30+s2] =	stream.linear.scatter [tilespmem:s5], [sflag:$0x2], $0xA000, $0x38;
	[tilespmem:$0x15900] =	vst v63  }
0xef: {  	s0 =	rddreg [dreg:$0x10]  }
0xf0: {  	[tilespmem:s7], [sflag:$0x1] =	stream.indirect.gather [hbm4b:s3+s4], $0x40, s0, s4, $0xb8;
	[tilespmem:$0x15900] =	vst v63  }
0xf1: {  	s18 =	rddreg [dreg:$0x11]  }
0xf2: {  	[tilespmem:s12], [sflag:$0x1] =	stream.indirect.gather [hbm4b:s3+s4], $0x40, s18, s4, $0xb8;
	[tilespmem:$0x15900] =	vst v63  }
0xf3: {  	s0 =	rddreg [dreg:$0x12]  }
0xf4: {  	[tilespmem:s15], [sflag:$0x1] =	stream.indirect.gather [hbm4b:s3+s4], $0x40, s0, s4, $0xb8;
	[tilespmem:$0x15900] =	vst v63  }
0xf5: {  	s18 =	rddreg [dreg:$0x13]  }
0xf6: {  	[tilespmem:s16], [sflag:$0x1] =	stream.indirect.gather [hbm4b:s3+s4], $0x40, s18, s4, $0xb8;
	[tilespmem:$0x15900] =	vst v63  }
0xf7: {  	s0 =	rddreg [dreg:$0x14]  }
0xf8: {  	[tilespmem:s17], [sflag:$0x1] =	stream.indirect.gather [hbm4b:s3+s4], $0x40, s0, s4, $0xb8;
	[tilespmem:$0x15900] =	vst v63  }
0xf9: {  	_ =	swait.ge [sflag:s6], $0xA000  }
0xfa: {  	[sflag:s6] =	ssyncset.done $0x0  }
0xfb: {  	s18 =	rddreg [dreg:$0x5];
	[sflag:s6] =	ssyncadd.s32 $0xFFFF6000  }
0xfc: {  	[hbm4b:s18+s2] =	stream.linear.scatter [tilespmem:s7], [sflag:$0x3], $0xA000, $0x38;
	[tilespmem:$0x15900] =	vst v63  }
0xfd: {  	_ =	swait.ge [sflag:s14], $0xA000  }
0xfe: {  	[sflag:s14] =	ssyncset.done $0x0  }
0xff: {  	s0 =	rddreg [dreg:$0x15];
	[sflag:s14] =	ssyncadd.s32 $0xFFFF6000  }
0x100: {  	[tilespmem:s5], [sflag:$0x1] =	stream.indirect.gather [hbm4b:s3+s4], $0x40, s0, s4, $0xb8;
	[tilespmem:$0x15900] =	vst v63  }
0x101: {  	s18 =	rddreg [dreg:$0x16]  }
0x102: {  	[tilespmem:s8], [sflag:$0x1] =	stream.indirect.gather [hbm4b:s3+s4], $0x40, s18, s4, $0xb8;
	[tilespmem:$0x15900] =	vst v63  }
0x103: {  	s0 =	rddreg [dreg:$0x17]  }
0x104: {  	[tilespmem:s9], [sflag:$0x1] =	stream.indirect.gather [hbm4b:s3+s4], $0x40, s0, s4, $0xb8;
	[tilespmem:$0x15900] =	vst v63  }
0x105: {  	s18 =	rddreg [dreg:$0x18]  }
0x106: {  	[tilespmem:s10], [sflag:$0x1] =	stream.indirect.gather [hbm4b:s3+s4], $0x40, s18, s4, $0xb8;
	[tilespmem:$0x15900] =	vst v63  }
0x107: {  	s0 =	rddreg [dreg:$0x19]  }
0x108: {  	[tilespmem:s13], [sflag:$0x1] =	stream.indirect.gather [hbm4b:s3+s4], $0x40, s0, s4, $0xb8;
	[tilespmem:$0x15900] =	vst v63  }
0x109: {  	_ =	swait.ge [sflag:s6], $0xA000  }
0x10a: {  	[sflag:s6] =	ssyncset.done $0x0  }
0x10b: {  	s18 =	rddreg [dreg:$0x6];
	[sflag:s6] =	ssyncadd.s32 $0xFFFF6000  }
0x10c: {  	[hbm4b:s18+s2] =	stream.linear.scatter [tilespmem:s5], [sflag:$0x2], $0xA000, $0x38;
	[tilespmem:$0x15900] =	vst v63  }
0x10d: {  	_ =	swait.ge [sflag:s11], $0xA000  }
0x10e: {  	[sflag:s11] =	ssyncset.done $0x0  }
0x10f: {  	s0 =	rddreg [dreg:$0x1a];
	[sflag:s11] =	ssyncadd.s32 $0xFFFF6000  }
0x110: {  	[tilespmem:s7], [sflag:$0x1] =	stream.indirect.gather [hbm4b:s3+s4], $0x40, s0, s4, $0xb8;
	[tilespmem:$0x15900] =	vst v63  }
0x111: {  	s18 =	rddreg [dreg:$0x1b]  }
0x112: {  	[tilespmem:s12], [sflag:$0x1] =	stream.indirect.gather [hbm4b:s3+s4], $0x40, s18, s4, $0xb8;
	[tilespmem:$0x15900] =	vst v63  }
0x113: {  	s0 =	rddreg [dreg:$0x1c]  }
0x114: {  	[tilespmem:s15], [sflag:$0x1] =	stream.indirect.gather [hbm4b:s3+s4], $0x40, s0, s4, $0xb8;
	[tilespmem:$0x15900] =	vst v63  }
0x115: {  	s18 =	rddreg [dreg:$0x1d]  }
0x116: {  	[tilespmem:s16], [sflag:$0x1] =	stream.indirect.gather [hbm4b:s3+s4], $0x40, s18, s4, $0xb8;
	[tilespmem:$0x15900] =	vst v63  }
0x117: {  	s0 =	rddreg [dreg:$0x1e]  }
0x118: {  	[tilespmem:s17], [sflag:$0x1] =	stream.indirect.gather [hbm4b:s3+s4], $0x40, s0, s4, $0xb8;
	[tilespmem:$0x15900] =	vst v63  }
0x119: {  	_ =	swait.ge [sflag:s6], $0xA000  }
0x11a: {  	[sflag:s6] =	ssyncset.done $0x0  }
0x11b: {  	s18 =	rddreg [dreg:$0x7];
	[sflag:s6] =	ssyncadd.s32 $0xFFFF6000  }
0x11c: {  	[hbm4b:s18+s2] =	stream.linear.scatter [tilespmem:s7], [sflag:$0x3], $0xA000, $0x38;
	[tilespmem:$0x15900] =	vst v63  }
0x11d: {  	_ =	swait.ge [sflag:s14], $0xA000  }
0x11e: {  	s0 =	rddreg [dreg:$0x1f];
	[sflag:s14] =	ssyncset.done $0x0  }
0x11f: {  	s18 =	sld [smem:$0x7EC];
	[sflag:s14] =	ssyncadd.s32 $0xFFFF6000  }
0x120: {  	[tilespmem:s5], [sflag:$0x1] =	stream.indirect.gather [hbm4b:s3+s4], $0x40, s0, s4, $0xb8;
	[tilespmem:$0x15900] =	vst v63  }
0x121: {  	s0 =	sld [smem:$0x7ED]  }
0x122: {  	[tilespmem:s8], [sflag:$0x1] =	stream.indirect.gather [hbm4b:s3+s4], $0x40, s18, s4, $0xb8;
	[tilespmem:$0x15900] =	vst v63  }
0x123: {  	s18 =	sld [smem:$0x7EE]  }
0x124: {  	[tilespmem:s9], [sflag:$0x1] =	stream.indirect.gather [hbm4b:s3+s4], $0x40, s0, s4, $0xb8;
	[tilespmem:$0x15900] =	vst v63  }
0x125: {  	s0 =	sld [smem:$0x7EF]  }
0x126: {  	[tilespmem:s10], [sflag:$0x1] =	stream.indirect.gather [hbm4b:s3+s4], $0x40, s18, s4, $0xb8;
	[tilespmem:$0x15900] =	vst v63  }
0x127: {  	_ = 	snop  }
0x128: {  	[tilespmem:s13], [sflag:$0x1] =	stream.indirect.gather [hbm4b:s3+s4], $0x40, s0, s4, $0xb8;
	[tilespmem:$0x15900] =	vst v63  }
0x129: {  	_ =	swait.ge [sflag:s6], $0xA000  }
0x12a: {  	[sflag:s6] =	ssyncset.done $0x0  }
0x12b: {  	s18 =	rddreg [dreg:$0x8];
	[sflag:s6] =	ssyncadd.s32 $0xFFFF6000  }
0x12c: {  	[hbm4b:s18+s2] =	stream.linear.scatter [tilespmem:s5], [sflag:$0x2], $0xA000, $0x38;
	[tilespmem:$0x15900] =	vst v63  }
0x12d: {  	_ =	swait.ge [sflag:s11], $0xA000  }
0x12e: {  	s0 =	sld [smem:$0x7F0]  }
0x12f: {  	[sflag:s11] =	ssyncset.done $0x0  }
0x130: {  	s18 =	sld [smem:$0x7F1];
	[sflag:s11] =	ssyncadd.s32 $0xFFFF6000  }
0x131: {  	[tilespmem:s7], [sflag:$0x1] =	stream.indirect.gather [hbm4b:s3+s4], $0x40, s0, s4, $0xb8;
	[tilespmem:$0x15900] =	vst v63  }
0x132: {  	s0 =	sld [smem:$0x7F2]  }
0x133: {  	[tilespmem:s12], [sflag:$0x1] =	stream.indirect.gather [hbm4b:s3+s4], $0x40, s18, s4, $0xb8;
	[tilespmem:$0x15900] =	vst v63  }
0x134: {  	s18 =	sld [smem:$0x7F3]  }
0x135: {  	[tilespmem:s15], [sflag:$0x1] =	stream.indirect.gather [hbm4b:s3+s4], $0x40, s0, s4, $0xb8;
	[tilespmem:$0x15900] =	vst v63  }
0x136: {  	s0 =	sld [smem:$0x7F4]  }
0x137: {  	[tilespmem:s16], [sflag:$0x1] =	stream.indirect.gather [hbm4b:s3+s4], $0x40, s18, s4, $0xb8;
	[tilespmem:$0x15900] =	vst v63  }
0x138: {  	_ = 	snop  }
0x139: {  	[tilespmem:s17], [sflag:$0x1] =	stream.indirect.gather [hbm4b:s3+s4], $0x40, s0, s4, $0xb8;
	[tilespmem:$0x15900] =	vst v63  }
0x13a: {  	_ =	swait.ge [sflag:s6], $0xA000  }
0x13b: {  	[sflag:s6] =	ssyncset.done $0x0  }
0x13c: {  	s18 =	rddreg [dreg:$0x9];
	[sflag:s6] =	ssyncadd.s32 $0xFFFF6000  }
0x13d: {  	[hbm4b:s18+s2] =	stream.linear.scatter [tilespmem:s7], [sflag:$0x3], $0xA000, $0x38;
	[tilespmem:$0x15900] =	vst v63  }
0x13e: {  	_ =	swait.ge [sflag:s14], $0xA000  }
0x13f: {  	s0 =	sld [smem:$0x7F5]  }
0x140: {  	[sflag:s14] =	ssyncset.done $0x0  }
0x141: {  	s18 =	sld [smem:$0x7F6];
	[sflag:s14] =	ssyncadd.s32 $0xFFFF6000  }
0x142: {  	[tilespmem:s5], [sflag:$0x1] =	stream.indirect.gather [hbm4b:s3+s4], $0x40, s0, s4, $0xb8;
	[tilespmem:$0x15900] =	vst v63  }
0x143: {  	s0 =	sld [smem:$0x7F7]  }
0x144: {  	[tilespmem:s8], [sflag:$0x1] =	stream.indirect.gather [hbm4b:s3+s4], $0x40, s18, s4, $0xb8;
	[tilespmem:$0x15900] =	vst v63  }
0x145: {  	s18 =	sld [smem:$0x7F8]  }
0x146: {  	[tilespmem:s9], [sflag:$0x1] =	stream.indirect.gather [hbm4b:s3+s4], $0x40, s0, s4, $0xb8;
	[tilespmem:$0x15900] =	vst v63  }
0x147: {  	s0 =	sld [smem:$0x7F9]  }
0x148: {  	[tilespmem:s10], [sflag:$0x1] =	stream.indirect.gather [hbm4b:s3+s4], $0x40, s18, s4, $0xb8;
	[tilespmem:$0x15900] =	vst v63  }
0x149: {  	_ = 	snop  }
0x14a: {  	[tilespmem:s13], [sflag:$0x1] =	stream.indirect.gather [hbm4b:s3+s4], $0x40, s0, s4, $0xb8;
	[tilespmem:$0x15900] =	vst v63  }
0x14b: {  	_ =	swait.ge [sflag:s6], $0xA000  }
0x14c: {  	[sflag:s6] =	ssyncset.done $0x0  }
0x14d: {  	s18 =	rddreg [dreg:$0xa];
	[sflag:s6] =	ssyncadd.s32 $0xFFFF6000  }
0x14e: {  	[hbm4b:s18+s2] =	stream.linear.scatter [tilespmem:s5], [sflag:$0x2], $0xA000, $0x38;
	[tilespmem:$0x15900] =	vst v63  }
0x14f: {  	_ =	swait.ge [sflag:s11], $0xA000  }
0x150: {  	s0 =	sld [smem:$0x7FA]  }
0x151: {  	[sflag:s11] =	ssyncset.done $0x0  }
0x152: {  	s18 =	sld [smem:$0x7FB];
	[sflag:s11] =	ssyncadd.s32 $0xFFFF6000  }
0x153: {  	[tilespmem:s7], [sflag:$0x1] =	stream.indirect.gather [hbm4b:s3+s4], $0x40, s0, s4, $0xb8;
	[tilespmem:$0x15900] =	vst v63  }
0x154: {  	s0 =	sld [smem:$0x7FC]  }
0x155: {  	[tilespmem:s12], [sflag:$0x1] =	stream.indirect.gather [hbm4b:s3+s4], $0x40, s18, s4, $0xb8;
	[tilespmem:$0x15900] =	vst v63  }
0x156: {  	s18 =	sld [smem:$0x7FD]  }
0x157: {  	[tilespmem:s15], [sflag:$0x1] =	stream.indirect.gather [hbm4b:s3+s4], $0x40, s0, s4, $0xb8;
	[tilespmem:$0x15900] =	vst v63  }
0x158: {  	_ = 	snop  }
0x159: {  	[tilespmem:s16], [sflag:$0x1] =	stream.indirect.gather [hbm4b:s3+s4], $0x40, s18, s4, $0xb8;
	[tilespmem:$0x15900] =	vst v63  }
0x15a: {  	_ = 	snop  }
0x15b: {  	[tilespmem:s17], [sflag:$0x1] =	stream.indirect.gather [hbm4b:s3+s4], $0x40, s24, s4, $0xb8;
	[tilespmem:$0x15900] =	vst v63  }
0x15c: {  	_ =	swait.ge [sflag:s6], $0xA000  }
0x15d: {  	[sflag:s6] =	ssyncset.done $0x0  }
0x15e: {  	s18 =	rddreg [dreg:$0xb];
	[sflag:s6] =	ssyncadd.s32 $0xFFFF6000  }
0x15f: {  	[hbm4b:s18+s2] =	stream.linear.scatter [tilespmem:s7], [sflag:$0x3], $0xA000, $0x38;
	[tilespmem:$0x15900] =	vst v63  }
0x160: {  	_ =	swait.ge [sflag:s14], $0xA000  }
0x161: {  	[sflag:s14] =	ssyncset.done $0x0  }
0x162: {  	s18 =	simm.s32 $0x1400;
	[sflag:s14] =	ssyncadd.s32 $0xFFFF6000  }
0x163: {  	[tilespmem:s5], [sflag:$0x1] =	stream.indirect.gather [hbm4b:s3+s4], $0x40, s18, s4, $0xb8;
	[tilespmem:$0x15900] =	vst v63  }
0x164: {  	_ = 	snop  }
0x165: {  	[tilespmem:s8], [sflag:$0x1] =	stream.indirect.gather [hbm4b:s3+s4], $0x40, s25, s4, $0xb8;
	[tilespmem:$0x15900] =	vst v63  }
0x166: {  	_ = 	snop  }
0x167: {  	[tilespmem:s9], [sflag:$0x1] =	stream.indirect.gather [hbm4b:s3+s4], $0x40, s26, s4, $0xb8;
	[tilespmem:$0x15900] =	vst v63  }
0x168: {  	_ = 	snop  }
0x169: {  	[tilespmem:s10], [sflag:$0x1] =	stream.indirect.gather [hbm4b:s3+s4], $0x40, s28, s4, $0xb8;
	[tilespmem:$0x15900] =	vst v63  }
0x16a: {  	_ = 	snop  }
0x16b: {  	[tilespmem:s13], [sflag:$0x1] =	stream.indirect.gather [hbm4b:s3+s4], $0x40, s29, s4, $0xb8;
	[tilespmem:$0x15900] =	vst v63  }
0x16c: {  	_ =	swait.ge [sflag:s6], $0xA000  }
0x16d: {  	[sflag:s6] =	ssyncset.done $0x0  }
0x16e: {  	s18 =	rddreg [dreg:$0xc];
	[sflag:s6] =	ssyncadd.s32 $0xFFFF6000  }
0x16f: {  	[hbm4b:s18+s2] =	stream.linear.scatter [tilespmem:s5], [sflag:$0x2], $0xA000, $0x38;
	[tilespmem:$0x15900] =	vst v63  }
0x170: {  	_ =	swait.ge [sflag:s11], $0xA000  }
0x171: {  	[sflag:s11] =	ssyncset.done $0x0  }
0x172: {  	[sflag:s11] =	ssyncadd.s32 $0xFFFF6000  }
0x173: {  	[tilespmem:s7], [sflag:$0x1] =	stream.indirect.gather [hbm4b:s3+s4], $0x40, s19, s4, $0xb8;
	[tilespmem:$0x15900] =	vst v63  }
0x174: {  	_ = 	snop  }
0x175: {  	[tilespmem:s12], [sflag:$0x1] =	stream.indirect.gather [hbm4b:s3+s4], $0x40, s20, s4, $0xb8;
	[tilespmem:$0x15900] =	vst v63  }
0x176: {  	_ = 	snop  }
0x177: {  	[tilespmem:s15], [sflag:$0x1] =	stream.indirect.gather [hbm4b:s3+s4], $0x40, s21, s4, $0xb8;
	[tilespmem:$0x15900] =	vst v63  }
0x178: {  	_ = 	snop  }
0x179: {  	[tilespmem:s16], [sflag:$0x1] =	stream.indirect.gather [hbm4b:s3+s4], $0x40, s22, s4, $0xb8;
	[tilespmem:$0x15900] =	vst v63  }
0x17a: {  	_ = 	snop  }
0x17b: {  	[tilespmem:s17], [sflag:$0x1] =	stream.indirect.gather [hbm4b:s3+s4], $0x40, s23, s4, $0xb8;
	[tilespmem:$0x15900] =	vst v63  }
0x17c: {  	_ =	swait.ge [sflag:s6], $0xA000  }
0x17d: {  	[sflag:s6] =	ssyncset.done $0x0  }
0x17e: {  	p1 =	sne.s32 s1, $0x1;
	s18 =	rddreg [dreg:$0x4];
	[sflag:s6] =	ssyncadd.s32 $0xFFFF6000  }
0x17f: {  	[hbm4b:s18+s2] =	stream.linear.scatter [tilespmem:s7], [sflag:$0x3], $0xA000, $0x38;
	[tilespmem:$0x15900] =	vst v63  }
.Ltmp2:
0x180: {  	_ =	swait.ge [sflag:s14], $0xA000;
	(pc) =	sbr.rel @p1 .LBB2_4-.Ltmp2, $4  }
0x181: {  	[sflag:s14] =	ssyncset.done $0x0  }
0x182: {  	[sflag:s14] =	ssyncadd.s32 $0xFFFF6000  }
0x183: {  	_ =	swait.ge [sflag:s11], $0xA000  }
0x184: {  	s1 =	sadd.s32 $0xFFFFFFFF, s1;
	s0 =	rddreg [dreg:$0x3];
	[sflag:s11] =	ssyncset.done $0x0  }
0x185: {  	s23 =	simm.s32 $0x1380;
	s29 =	simm.s32 $0x1600  }
0x186: {  	s28 =	simm.s32 $0x1580;
	s26 =	simm.s32 $0x1500;
	s25 =	simm.s32 $0x1480  }
0x187: {  	s24 =	simm.s32 $0x1400;
	s22 =	simm.s32 $0x1800;
	s21 =	simm.s32 $0x1780  }
0x188: {  	s20 =	simm.s32 $0x1700;
	s19 =	simm.s32 $0x1680;
	s18 =	stileid.u32  }
.LBB2_6:
0x189: {  	[sflag:s11] =	ssyncadd.s32 @p0 $0xFFFF6000  }
0x18a: {  	[tilespmem:s2], [sflag:$0x4] =	stream.linear.gather [hbm4b:s0+s2], $0x1900, $0x38;
	[tilespmem:$0x15900] =	vst v63  }
0x18b: {  	_ =	swait.ge [sflag:s31], $0x1900  }
0x18c: {  	[sflag:s31] =	ssyncset.done $0x0  }
0x18d: {  	[sflag:s31] =	ssyncadd.s32 $0xFFFFE700  }
0x18e: {  	[tilespmem:s5], [sflag:$0x1] =	stream.indirect.gather [hbm4b:s3+s4], $0x40, s2, s4, $0xb8;
	[tilespmem:$0x15900] =	vst v63  }
0x18f: {  	_ = 	snop  }
0x190: {  	[tilespmem:s8], [sflag:$0x1] =	stream.indirect.gather [hbm4b:s3+s4], $0x40, s4, s4, $0xb8;
	[tilespmem:$0x15900] =	vst v63  }
0x191: {  	s31 =	rddreg [dreg:$0xd]  }
0x192: {  	[tilespmem:s9], [sflag:$0x1] =	stream.indirect.gather [hbm4b:s3+s4], $0x40, s31, s4, $0xb8;
	[tilespmem:$0x15900] =	vst v63  }
0x193: {  	s1 =	rddreg [dreg:$0xe]  }
0x194: {  	[tilespmem:s10], [sflag:$0x1] =	stream.indirect.gather [hbm4b:s3+s4], $0x40, s1, s4, $0xb8;
	[tilespmem:$0x15900] =	vst v63  }
0x195: {  	s31 =	rddreg [dreg:$0xf]  }
0x196: {  	[tilespmem:s13], [sflag:$0x1] =	stream.indirect.gather [hbm4b:s3+s4], $0x40, s31, s4, $0xb8;
	[tilespmem:$0x15900] =	vst v63  }
0x197: {  	_ =	swait.ge [sflag:s6], $0xA000  }
0x198: {  	[sflag:s6] =	ssyncset.done $0x0  }
0x199: {  	[sflag:s6] =	ssyncadd.s32 $0xFFFF6000  }
0x19a: {  	[hbm4b:s30+s2] =	stream.linear.scatter [tilespmem:s5], [sflag:$0x2], $0xA000, $0x38;
	[tilespmem:$0x15900] =	vst v63  }
0x19b: {  	s1 =	rddreg [dreg:$0x10]  }
0x19c: {  	[tilespmem:s7], [sflag:$0x1] =	stream.indirect.gather [hbm4b:s3+s4], $0x40, s1, s4, $0xb8;
	[tilespmem:$0x15900] =	vst v63  }
0x19d: {  	s31 =	rddreg [dreg:$0x11]  }
0x19e: {  	[tilespmem:s12], [sflag:$0x1] =	stream.indirect.gather [hbm4b:s3+s4], $0x40, s31, s4, $0xb8;
	[tilespmem:$0x15900] =	vst v63  }
0x19f: {  	s30 =	rddreg [dreg:$0x12]  }
0x1a0: {  	[tilespmem:s15], [sflag:$0x1] =	stream.indirect.gather [hbm4b:s3+s4], $0x40, s30, s4, $0xb8;
	[tilespmem:$0x15900] =	vst v63  }
0x1a1: {  	s31 =	rddreg [dreg:$0x13]  }
0x1a2: {  	[tilespmem:s16], [sflag:$0x1] =	stream.indirect.gather [hbm4b:s3+s4], $0x40, s31, s4, $0xb8;
	[tilespmem:$0x15900] =	vst v63  }
0x1a3: {  	s30 =	rddreg [dreg:$0x14]  }
0x1a4: {  	[tilespmem:s17], [sflag:$0x1] =	stream.indirect.gather [hbm4b:s3+s4], $0x40, s30, s4, $0xb8;
	[tilespmem:$0x15900] =	vst v63  }
0x1a5: {  	_ =	swait.ge [sflag:s6], $0xA000  }
0x1a6: {  	[sflag:s6] =	ssyncset.done $0x0  }
0x1a7: {  	s31 =	rddreg [dreg:$0x5];
	[sflag:s6] =	ssyncadd.s32 $0xFFFF6000  }
0x1a8: {  	[hbm4b:s31+s2] =	stream.linear.scatter [tilespmem:s7], [sflag:$0x3], $0xA000, $0x38;
	[tilespmem:$0x15900] =	vst v63  }
0x1a9: {  	_ =	swait.ge [sflag:s14], $0xA000  }
0x1aa: {  	[sflag:s14] =	ssyncset.done $0x0  }
0x1ab: {  	s1 =	rddreg [dreg:$0x15];
	[sflag:s14] =	ssyncadd.s32 $0xFFFF6000  }
0x1ac: {  	[tilespmem:s5], [sflag:$0x1] =	stream.indirect.gather [hbm4b:s3+s4], $0x40, s1, s4, $0xb8;
	[tilespmem:$0x15900] =	vst v63  }
0x1ad: {  	s30 =	rddreg [dreg:$0x16]  }
0x1ae: {  	[tilespmem:s8], [sflag:$0x1] =	stream.indirect.gather [hbm4b:s3+s4], $0x40, s30, s4, $0xb8;
	[tilespmem:$0x15900] =	vst v63  }
0x1af: {  	s31 =	rddreg [dreg:$0x17]  }
0x1b0: {  	[tilespmem:s9], [sflag:$0x1] =	stream.indirect.gather [hbm4b:s3+s4], $0x40, s31, s4, $0xb8;
	[tilespmem:$0x15900] =	vst v63  }
0x1b1: {  	s30 =	rddreg [dreg:$0x18]  }
0x1b2: {  	[tilespmem:s10], [sflag:$0x1] =	stream.indirect.gather [hbm4b:s3+s4], $0x40, s30, s4, $0xb8;
	[tilespmem:$0x15900] =	vst v63  }
0x1b3: {  	s31 =	rddreg [dreg:$0x19]  }
0x1b4: {  	[tilespmem:s13], [sflag:$0x1] =	stream.indirect.gather [hbm4b:s3+s4], $0x40, s31, s4, $0xb8;
	[tilespmem:$0x15900] =	vst v63  }
0x1b5: {  	_ =	swait.ge [sflag:s6], $0xA000  }
0x1b6: {  	[sflag:s6] =	ssyncset.done $0x0  }
0x1b7: {  	s1 =	rddreg [dreg:$0x6];
	[sflag:s6] =	ssyncadd.s32 $0xFFFF6000  }
0x1b8: {  	[hbm4b:s1+s2] =	stream.linear.scatter [tilespmem:s5], [sflag:$0x2], $0xA000, $0x38;
	[tilespmem:$0x15900] =	vst v63  }
0x1b9: {  	_ =	swait.ge [sflag:s11], $0xA000  }
0x1ba: {  	[sflag:s11] =	ssyncset.done $0x0  }
0x1bb: {  	s30 =	rddreg [dreg:$0x1a];
	[sflag:s11] =	ssyncadd.s32 $0xFFFF6000  }
0x1bc: {  	[tilespmem:s7], [sflag:$0x1] =	stream.indirect.gather [hbm4b:s3+s4], $0x40, s30, s4, $0xb8;
	[tilespmem:$0x15900] =	vst v63  }
0x1bd: {  	s31 =	rddreg [dreg:$0x1b]  }
0x1be: {  	[tilespmem:s12], [sflag:$0x1] =	stream.indirect.gather [hbm4b:s3+s4], $0x40, s31, s4, $0xb8;
	[tilespmem:$0x15900] =	vst v63  }
0x1bf: {  	s30 =	rddreg [dreg:$0x1c]  }
0x1c0: {  	[tilespmem:s15], [sflag:$0x1] =	stream.indirect.gather [hbm4b:s3+s4], $0x40, s30, s4, $0xb8;
	[tilespmem:$0x15900] =	vst v63  }
0x1c1: {  	s31 =	rddreg [dreg:$0x1d]  }
0x1c2: {  	[tilespmem:s16], [sflag:$0x1] =	stream.indirect.gather [hbm4b:s3+s4], $0x40, s31, s4, $0xb8;
	[tilespmem:$0x15900] =	vst v63  }
0x1c3: {  	s30 =	rddreg [dreg:$0x1e]  }
0x1c4: {  	[tilespmem:s17], [sflag:$0x1] =	stream.indirect.gather [hbm4b:s3+s4], $0x40, s30, s4, $0xb8;
	[tilespmem:$0x15900] =	vst v63  }
0x1c5: {  	_ =	swait.ge [sflag:s6], $0xA000  }
0x1c6: {  	[sflag:s6] =	ssyncset.done $0x0  }
0x1c7: {  	s31 =	rddreg [dreg:$0x7];
	[sflag:s6] =	ssyncadd.s32 $0xFFFF6000  }
0x1c8: {  	[hbm4b:s31+s2] =	stream.linear.scatter [tilespmem:s7], [sflag:$0x3], $0xA000, $0x38;
	[tilespmem:$0x15900] =	vst v63  }
0x1c9: {  	_ =	swait.ge [sflag:s14], $0xA000  }
0x1ca: {  	s1 =	rddreg [dreg:$0x1f];
	[sflag:s14] =	ssyncset.done $0x0  }
0x1cb: {  	s30 =	sld [smem:$0x7EC];
	[sflag:s14] =	ssyncadd.s32 $0xFFFF6000  }
0x1cc: {  	[tilespmem:s5], [sflag:$0x1] =	stream.indirect.gather [hbm4b:s3+s4], $0x40, s1, s4, $0xb8;
	[tilespmem:$0x15900] =	vst v63  }
0x1cd: {  	s31 =	sld [smem:$0x7ED]  }
0x1ce: {  	[tilespmem:s8], [sflag:$0x1] =	stream.indirect.gather [hbm4b:s3+s4], $0x40, s30, s4, $0xb8;
	[tilespmem:$0x15900] =	vst v63  }
0x1cf: {  	s30 =	sld [smem:$0x7EE]  }
0x1d0: {  	[tilespmem:s9], [sflag:$0x1] =	stream.indirect.gather [hbm4b:s3+s4], $0x40, s31, s4, $0xb8;
	[tilespmem:$0x15900] =	vst v63  }
0x1d1: {  	s31 =	sld [smem:$0x7EF]  }
0x1d2: {  	[tilespmem:s10], [sflag:$0x1] =	stream.indirect.gather [hbm4b:s3+s4], $0x40, s30, s4, $0xb8;
	[tilespmem:$0x15900] =	vst v63  }
0x1d3: {  	_ = 	snop  }
0x1d4: {  	[tilespmem:s13], [sflag:$0x1] =	stream.indirect.gather [hbm4b:s3+s4], $0x40, s31, s4, $0xb8;
	[tilespmem:$0x15900] =	vst v63  }
0x1d5: {  	_ =	swait.ge [sflag:s6], $0xA000  }
0x1d6: {  	[sflag:s6] =	ssyncset.done $0x0  }
0x1d7: {  	s1 =	rddreg [dreg:$0x8];
	[sflag:s6] =	ssyncadd.s32 $0xFFFF6000  }
0x1d8: {  	[hbm4b:s1+s2] =	stream.linear.scatter [tilespmem:s5], [sflag:$0x2], $0xA000, $0x38;
	[tilespmem:$0x15900] =	vst v63  }
0x1d9: {  	_ =	swait.ge [sflag:s11], $0xA000  }
0x1da: {  	s30 =	sld [smem:$0x7F0]  }
0x1db: {  	[sflag:s11] =	ssyncset.done $0x0  }
0x1dc: {  	s31 =	sld [smem:$0x7F1];
	[sflag:s11] =	ssyncadd.s32 $0xFFFF6000  }
0x1dd: {  	[tilespmem:s7], [sflag:$0x1] =	stream.indirect.gather [hbm4b:s3+s4], $0x40, s30, s4, $0xb8;
	[tilespmem:$0x15900] =	vst v63  }
0x1de: {  	s30 =	sld [smem:$0x7F2]  }
0x1df: {  	[tilespmem:s12], [sflag:$0x1] =	stream.indirect.gather [hbm4b:s3+s4], $0x40, s31, s4, $0xb8;
	[tilespmem:$0x15900] =	vst v63  }
0x1e0: {  	s31 =	sld [smem:$0x7F3]  }
0x1e1: {  	[tilespmem:s15], [sflag:$0x1] =	stream.indirect.gather [hbm4b:s3+s4], $0x40, s30, s4, $0xb8;
	[tilespmem:$0x15900] =	vst v63  }
0x1e2: {  	s30 =	sld [smem:$0x7F4]  }
0x1e3: {  	[tilespmem:s16], [sflag:$0x1] =	stream.indirect.gather [hbm4b:s3+s4], $0x40, s31, s4, $0xb8;
	[tilespmem:$0x15900] =	vst v63  }
0x1e4: {  	_ = 	snop  }
0x1e5: {  	[tilespmem:s17], [sflag:$0x1] =	stream.indirect.gather [hbm4b:s3+s4], $0x40, s30, s4, $0xb8;
	[tilespmem:$0x15900] =	vst v63  }
0x1e6: {  	_ =	swait.ge [sflag:s6], $0xA000  }
0x1e7: {  	[sflag:s6] =	ssyncset.done $0x0  }
0x1e8: {  	s31 =	rddreg [dreg:$0x9];
	[sflag:s6] =	ssyncadd.s32 $0xFFFF6000  }
0x1e9: {  	[hbm4b:s31+s2] =	stream.linear.scatter [tilespmem:s7], [sflag:$0x3], $0xA000, $0x38;
	[tilespmem:$0x15900] =	vst v63  }
0x1ea: {  	_ =	swait.ge [sflag:s14], $0xA000  }
0x1eb: {  	s1 =	sld [smem:$0x7F5]  }
0x1ec: {  	[sflag:s14] =	ssyncset.done $0x0  }
0x1ed: {  	s30 =	sld [smem:$0x7F6];
	[sflag:s14] =	ssyncadd.s32 $0xFFFF6000  }
0x1ee: {  	[tilespmem:s5], [sflag:$0x1] =	stream.indirect.gather [hbm4b:s3+s4], $0x40, s1, s4, $0xb8;
	[tilespmem:$0x15900] =	vst v63  }
0x1ef: {  	s31 =	sld [smem:$0x7F7]  }
0x1f0: {  	[tilespmem:s8], [sflag:$0x1] =	stream.indirect.gather [hbm4b:s3+s4], $0x40, s30, s4, $0xb8;
	[tilespmem:$0x15900] =	vst v63  }
0x1f1: {  	s30 =	sld [smem:$0x7F8]  }
0x1f2: {  	[tilespmem:s9], [sflag:$0x1] =	stream.indirect.gather [hbm4b:s3+s4], $0x40, s31, s4, $0xb8;
	[tilespmem:$0x15900] =	vst v63  }
0x1f3: {  	s31 =	sld [smem:$0x7F9]  }
0x1f4: {  	[tilespmem:s10], [sflag:$0x1] =	stream.indirect.gather [hbm4b:s3+s4], $0x40, s30, s4, $0xb8;
	[tilespmem:$0x15900] =	vst v63  }
0x1f5: {  	_ = 	snop  }
0x1f6: {  	[tilespmem:s13], [sflag:$0x1] =	stream.indirect.gather [hbm4b:s3+s4], $0x40, s31, s4, $0xb8;
	[tilespmem:$0x15900] =	vst v63  }
0x1f7: {  	_ =	swait.ge [sflag:s6], $0xA000  }
0x1f8: {  	[sflag:s6] =	ssyncset.done $0x0  }
0x1f9: {  	s1 =	rddreg [dreg:$0xa];
	[sflag:s6] =	ssyncadd.s32 $0xFFFF6000  }
0x1fa: {  	[hbm4b:s1+s2] =	stream.linear.scatter [tilespmem:s5], [sflag:$0x2], $0xA000, $0x38;
	[tilespmem:$0x15900] =	vst v63  }
0x1fb: {  	_ =	swait.ge [sflag:s11], $0xA000  }
0x1fc: {  	s30 =	sld [smem:$0x7FA]  }
0x1fd: {  	[sflag:s11] =	ssyncset.done $0x0  }
0x1fe: {  	s31 =	sld [smem:$0x7FB];
	[sflag:s11] =	ssyncadd.s32 $0xFFFF6000  }
0x1ff: {  	[tilespmem:s7], [sflag:$0x1] =	stream.indirect.gather [hbm4b:s3+s4], $0x40, s30, s4, $0xb8;
	[tilespmem:$0x15900] =	vst v63  }
0x200: {  	s30 =	sld [smem:$0x7FC]  }
0x201: {  	[tilespmem:s12], [sflag:$0x1] =	stream.indirect.gather [hbm4b:s3+s4], $0x40, s31, s4, $0xb8;
	[tilespmem:$0x15900] =	vst v63  }
0x202: {  	s31 =	sld [smem:$0x7FD]  }
0x203: {  	[tilespmem:s15], [sflag:$0x1] =	stream.indirect.gather [hbm4b:s3+s4], $0x40, s30, s4, $0xb8;
	[tilespmem:$0x15900] =	vst v63  }
0x204: {  	_ = 	snop  }
0x205: {  	[tilespmem:s16], [sflag:$0x1] =	stream.indirect.gather [hbm4b:s3+s4], $0x40, s31, s4, $0xb8;
	[tilespmem:$0x15900] =	vst v63  }
0x206: {  	_ = 	snop  }
0x207: {  	[tilespmem:s17], [sflag:$0x1] =	stream.indirect.gather [hbm4b:s3+s4], $0x40, s23, s4, $0xb8;
	[tilespmem:$0x15900] =	vst v63  }
0x208: {  	_ =	swait.ge [sflag:s6], $0xA000  }
0x209: {  	[sflag:s6] =	ssyncset.done $0x0  }
0x20a: {  	s23 =	rddreg [dreg:$0xb];
	[sflag:s6] =	ssyncadd.s32 $0xFFFF6000  }
0x20b: {  	[hbm4b:s23+s2] =	stream.linear.scatter [tilespmem:s7], [sflag:$0x3], $0xA000, $0x38;
	[tilespmem:$0x15900] =	vst v63  }
0x20c: {  	_ =	swait.ge [sflag:s14], $0xA000  }
0x20d: {  	[sflag:s14] =	ssyncset.done $0x0  }
0x20e: {  	[sflag:s14] =	ssyncadd.s32 $0xFFFF6000  }
0x20f: {  	[tilespmem:s5], [sflag:$0x1] =	stream.indirect.gather [hbm4b:s3+s4], $0x40, s24, s4, $0xb8;
	[tilespmem:$0x15900] =	vst v63  }
0x210: {  	_ = 	snop  }
0x211: {  	[tilespmem:s8], [sflag:$0x1] =	stream.indirect.gather [hbm4b:s3+s4], $0x40, s25, s4, $0xb8;
	[tilespmem:$0x15900] =	vst v63  }
0x212: {  	_ = 	snop  }
0x213: {  	[tilespmem:s9], [sflag:$0x1] =	stream.indirect.gather [hbm4b:s3+s4], $0x40, s26, s4, $0xb8;
	[tilespmem:$0x15900] =	vst v63  }
0x214: {  	_ = 	snop  }
0x215: {  	[tilespmem:s10], [sflag:$0x1] =	stream.indirect.gather [hbm4b:s3+s4], $0x40, s28, s4, $0xb8;
	[tilespmem:$0x15900] =	vst v63  }
0x216: {  	_ = 	snop  }
0x217: {  	[tilespmem:s13], [sflag:$0x1] =	stream.indirect.gather [hbm4b:s3+s4], $0x40, s29, s4, $0xb8;
	[tilespmem:$0x15900] =	vst v63  }
0x218: {  	_ =	swait.ge [sflag:s6], $0xA000  }
0x219: {  	[sflag:s6] =	ssyncset.done $0x0  }
0x21a: {  	s29 =	rddreg [dreg:$0xc];
	[sflag:s6] =	ssyncadd.s32 $0xFFFF6000  }
0x21b: {  	[hbm4b:s29+s2] =	stream.linear.scatter [tilespmem:s5], [sflag:$0x2], $0xA000, $0x38;
	[tilespmem:$0x15900] =	vst v63  }
0x21c: {  	_ =	swait.ge [sflag:s11], $0xA000  }
0x21d: {  	[sflag:s11] =	ssyncset.done $0x0  }
0x21e: {  	[sflag:s11] =	ssyncadd.s32 $0xFFFF6000  }
0x21f: {  	[tilespmem:s7], [sflag:$0x1] =	stream.indirect.gather [hbm4b:s3+s4], $0x40, s19, s4, $0xb8;
	[tilespmem:$0x15900] =	vst v63  }
0x220: {  	_ = 	snop  }
0x221: {  	[tilespmem:s12], [sflag:$0x1] =	stream.indirect.gather [hbm4b:s3+s4], $0x40, s20, s4, $0xb8;
	[tilespmem:$0x15900] =	vst v63  }
0x222: {  	_ = 	snop  }
0x223: {  	[tilespmem:s15], [sflag:$0x1] =	stream.indirect.gather [hbm4b:s3+s4], $0x40, s21, s4, $0xb8;
	[tilespmem:$0x15900] =	vst v63  }
0x224: {  	_ = 	snop  }
0x225: {  	[tilespmem:s16], [sflag:$0x1] =	stream.indirect.gather [hbm4b:s3+s4], $0x40, s22, s4, $0xb8;
	[tilespmem:$0x15900] =	vst v63  }
0x226: {  	s30 =	simm.s32 $0x1880  }
0x227: {  	[tilespmem:s17], [sflag:$0x1] =	stream.indirect.gather [hbm4b:s3+s4], $0x40, s30, s4, $0xb8;
	[tilespmem:$0x15900] =	vst v63  }
0x228: {  	_ =	swait.ge [sflag:s6], $0xA000  }
0x229: {  	[sflag:s6] =	ssyncset.done $0x0  }
0x22a: {  	s31 =	rddreg [dreg:$0x4];
	[sflag:s6] =	ssyncadd.s32 $0xFFFF6000  }
0x22b: {  	[hbm4b:s31+s2] =	stream.linear.scatter [tilespmem:s7], [sflag:$0x3], $0xA000, $0x38;
	[tilespmem:$0x15900] =	vst v63  }
0x22c: {  	_ =	swait.ge [sflag:s14], $0xA000  }
0x22d: {  	[sflag:s14] =	ssyncset.done $0x0  }
0x22e: {  	[sflag:s14] =	ssyncadd.s32 $0xFFFF6000  }
0x22f: {  	_ =	swait.ge [sflag:s11], $0xA000  }
0x230: {  	[sflag:s11] =	ssyncset.done $0x0  }
0x231: {  	[sflag:s11] =	ssyncadd.s32 $0xFFFF6000  }
0x232: {  	_ =	sfence.sel $0x180000  }
0x233: {  	[bflag:$0x0] =	sbarrier.arrive $0xFFFF  }
0x234: {  	_ =	strace $0x90000047  }
0x235: {  	[bflag:$0x2] =	sbarrier.arrive $0xFFFF  }
0x236: {  	p0 =	sne.s32 s18, $0x0;
	s0 =	rddreg [dreg:$0x2]  }
0x237: {  	s0 =	sadd.s32 @!p0 $0x100000, s0  }
0x238: {  	[sflag:s0] =	ssyncadd.tile.s32 @!p0 $0x1;
	_ =	shalt  }
.LBB2_1:
.Ltmp3:
0x239: {  	(pc) =	sbr.rel .LBB2_6-.Ltmp3, $4  }
0x23a: {  	s23 =	simm.s32 $0x1380  }
0x23b: {  	s29 =	simm.s32 $0x1600;
	s28 =	simm.s32 $0x1580;
	s26 =	simm.s32 $0x1500  }
0x23c: {  	s25 =	simm.s32 $0x1480;
	s24 =	simm.s32 $0x1400;
	s22 =	simm.s32 $0x1800  }
0x23d: {  	s21 =	simm.s32 $0x1780;
	s20 =	simm.s32 $0x1700;
	s19 =	simm.s32 $0x1680  }
.LBB2_3:
.Ltmp4:
0x23e: {  	(pc) =	sbr.rel .LBB2_6-.Ltmp4, $4  }
0x23f: {  	s23 =	simm.s32 $0x1380;
	s29 =	simm.s32 $0x1600  }
0x240: {  	s28 =	simm.s32 $0x1580;
	s26 =	simm.s32 $0x1500;
	s25 =	simm.s32 $0x1480  }
0x241: {  	s24 =	simm.s32 $0x1400;
	s22 =	simm.s32 $0x1800;
	s21 =	simm.s32 $0x1780  }
0x242: {  	s20 =	simm.s32 $0x1700;
	s19 =	simm.s32 $0x1680;
	s18 =	stileid.u32  }
.Lfunc_end2:
_tile_overlayer_lowered:
.L_overlay_start_2:
0x243: {  	(tag) =	ssettag $0x2  }
0x244: {  	s0 =	rddreg [dreg:$0x0];
	s2 =	stileid.u32  }
0x245: {  	s1 =	rddreg [dreg:$0x1];
	p0 =	sne.s32 s2, $0x0  }
0x246: {  	s3 =	rddreg [dreg:$0x2];
	[bflag:$0x3] =	sbarrier.arrive $0xFFFF;
	s2 =	simm.s32 @!p0 $0x1C04  }
0x247: {  	[timem:s3], [sflag:s2] =	dma.local @!p0 [hbm:s0], s1  }
0x248: {  	s0 =	simm.s32 @!p0 $0x4  }
0x249: {  	_ =	swait.ge @!p0 [sflag:s0], s1  }
0x24a: {  	s1 =	ssub.s32 @!p0 $0x0, s1;
	[sflag:s0] =	ssyncset.done @!p0 $0x0  }
0x24b: {  	[sflag:s0] =	ssyncadd.s32 @!p0 s1  }
0x24c: {  	[bflag:$0x3] =	sbarrier.arrive $0xFFFF  }
0x24d: {  	_ =	shalt  }

// kernel: sparse-core-data-format-call.cloned.1.call-start
scs
called_computation_lowered:
.L_overlay_start_0:
0x0: {  	s2 =	sld [smem:$0x3FD9]  }
0x1: {  	s3 =	sld [smem:$0x3FFE];
	_ =	sdelay $0x1  }
0x2: {  	s1 =	srdreg.scid  }
0x3: {  	s0 =	sand.u32 $0x1, s1  }
0x4: {  	s18 =	sshll.u32 s0, $0xA;
	s2 =	sadd.s32 s3, s2  }
0x5: {  	s2 =	sadd.s32 s2, s18  }
0x6: {  	[smem:$0x3FC6] =	sst s2  }
0x7: {  	_ = 	snop  }
0x8: {  	s2 =	sld [smem:$0x3FD0];
	(tm) =	ssettm $0x1  }
0x9: {  	s19 =	sld [smem:$0x3FFB];
	_ =	sdelay $0x3  }
0xa: {  	_ =	strace s19  }
0xb: {  	s3 =	sld [smem:$0x3FFC];
	_ =	sdelay $0x3  }
0xc: {  	_ =	strace s3  }
0xd: {  	s3 =	sld [smem:$0x3FFD];
	_ =	sdelay $0x3  }
0xe: {  	_ =	strace s3  }
0xf: {  	_ =	strace $0x8FFFFFFF  }
0x10: {  	s20 =	sld [smem:$0x3FDB];
	_ =	sdelay $0x1  }
0x11: {  	s4 =	simm.s32 $_scs_section_size  }
0x12: {  	s5 =	simm.s32 $_size__tile_overlayer_lowered;
	s6 =	simm.s32 $_tile_overlayer_lowered  }
0x13: {  	s23 =	simm.s32 $0x1BFF;
	s22 =	sshll.u32 s6, $0x1;
	s3 =	sadd.s32 s4, s20  }
0x14: {  	s7 =	simm.s32 $0x0;
	s21 =	sshll.u32 s5, $0x1;
	s5 =	sadd.s32 s22, s3  }
0x15: {  	[timem:s7], [sflag:s23] =	dma.local [hbm:s5], s21  }
0x16: {  	_ =	swait.ge [sflag:s23], s21  }
0x17: {  	s4 =	ssub.s32 $0x0, s21;
	[sflag:s23] =	ssyncset.done $0x0  }
0x18: {  	[sflag:s23] =	ssyncadd.s32 s4;
	_ =	sdelay $0x1  }
0x19: {  	s24 =	simm.s32 $0x1B8B  }
0x1a: {  	_ =	swait.ge [sflag:s24], $0x1  }
0x1b: {  	[sflag:s24] =	ssyncset.done $0x0  }
0x1c: {  	s26 =	simm.s32 $0x1B8E;
	s25 =	sld [smem:$0x3FFE];
	[sflag:s24] =	ssyncadd.s32 $0xFFFFFFFF  }
0x1d: {  	s27 =	simm.s32 $execute0_lowered;
	[smem:$0x3FD2] =	sst s26  }
0x1e: {  	s5 =	sshll.u32 s27, $0x1;
	_ =	strace $0x80000049;
	[dreg:$0x1] =	wrdreg $0xFFFFFFFF  }
0x1f: {  	s28 =	simm.s32 $_size_execute0_lowered;
	s3 =	sadd.s32 s3, s5;
	[dreg:$0x0] =	wrdreg $0x0  }
0x20: {  	s5 =	sshll.u32 s28, $0x1;
	[dreg:$0x2] =	wrdreg s3  }
0x21: {  	[dreg:$0x3] =	wrdreg s5  }
0x22: {  	[dreg:$0x4] =	wrdreg $0xC0  }
0x23: {  	_ =	task [dreg:s7], $0x5FFFF  }
0x24: {  	[dreg:$0x1] =	wrdreg $0xFFFFFFFF  }
0x25: {  	[dreg:$0x0] =	wrdreg $0x60  }
0x26: {  	[dreg:$0x2] =	wrdreg s25  }
0x27: {  	[dreg:$0x3] =	wrdreg s2  }
0x28: {  	[dreg:$0x4] =	wrdreg $0x9  }
0x29: {  	_ =	task.clear_ibuf [dreg:s7], $0x5FFFF;
	_ =	strace $0x90000049  }
0x2a: {  	s29 =	simm.s32 $0x9;
	_ =	strace $0x8000004B  }
0x2b: {  	_ =	swait.ge [sflag:s29], $0x1  }
0x2c: {  	[sflag:s29] =	ssyncadd.s32 $0xFFFFFFFF  }
0x2d: {  	_ =	strace $0x9000004B  }
0x2e: {  	_ =	sfence  }
0x2f: {  	s30 =	sld [smem:$0x0];
	_ =	sdelay $0x2  }
0x30: {  	s31 =	sshll.u32 s1, $0xD;
	s1 =	sshrl.u32 s1, $0x2  }
0x31: {  	s3 =	sand.u32 $0x4000, s31;
	s1 =	sadd.s32 s1, s30  }
0x32: {  	s0 =	sor.u32 s3, s0;
	s1 =	sshll.u32 s1, $0x11  }
0x33: {  	s0 =	sor.u32 s1, s0  }
0x34: {  	s0 =	sadd.s32 $0x8F2B, s0  }
0x35: {  	[sflag:s0] =	ssyncadd.remote.s32 $0x1  }
0x36: {  	_ =	sfence.sel $0xFFFF  }
0x37: {  	[dreg:$0x0] =	wrdreg $0xFFFFFFFF;
	(pc) =	sbr.abs _section_cstart, $3  }
0x38: {  	[dreg:$0x1] =	wrdreg $0xFFFFFFFF  }
0x39: {  	_ =	task.clear_ibuf [dreg:s7], $0x2FFFF;
	_ =	strace $0x9FFFFFFF  }
0x3a: {  	(tm) =	ssettm $0x7FFFFFFF  }
0x3b: {  	_ =	shalt  }
tec
execute0_lowered:
.L_overlay_start_1:
0x0: {  	(tag) =	ssettag $0x1  }
0x1: {  	s0 =	srdreg.scid  }
0x2: {  	s1 =	sshll.u32 s0, $0x4  }
0x3: {  	s0 =	stileid.u32;
	s1 =	sand.u32 $0x10, s1  }
0x4: {  	s1 =	sor.u32 s0, s1  }
0x5: {  	s6 =	rddreg [dreg:$0x0];
	s4 =	simm.s32 $0x1;
	s2 =	sshll.u32 s1, $0x7  }
0x6: {  	s7 =	simm.s32 $0x2;
	s12 =	simm.s32 $0x0;
	s1 =	ssub.s32 $0x1000, s2  }
0x7: {  	s8 =	simm.s32 $0x8000;
	s13 =	simm.s32 $0x0;
	s3 =	sand.u32 $0xF80, s1  }
0x8: {  	s9 =	simm.s32 $0x0;
	s5 =	sshrl.u32 s1, $0xC;
	p0 =	sne.s32 s3, $0x0  }
.Ltmp0:
0x9: {  	s1 =	rddreg [dreg:$0x2];
	s4 =	simm.s32 @!p0 $0x0;
	(pc) =	sbr.rel .LBB1_1-.Ltmp0, $4  }
0xa: {  	s11 =	simm.s32 $0x0;
	s3 =	rddreg [dreg:$0x1];
	s5 =	sadd.s32 s4, s5  }
0xb: {  	_ =	strace $0x8000004A;
	s4 =	simm.s32 $0x1;
	s5 =	smul.u32 $0x32, s5  }
0xc: {  	s6 =	sadd.s32 $0xA00, s6;
	s10 =	smov.u32 s2;
	[sflag:s4] =	ssyncpa.u1 $0x0  }
0xd: {  	p0 =	por $0x0, $0x0;
	[sflag:s7] =	ssyncpa.u1 $0x0;
	s7 =	sor.u32 $0x1, s5  }
.LBB1_4:
0xe: {  	s16 =	sshll.u32 s13, $0x3;
	s17 =	sand.u32 $0x78, s13  }
0xf: {  	s30 =	sand.u32 $0x7E00, s13;
	s12 =	sshll.u32 s12, $0xF;
	s16 =	sand.u32 $0xC00, s16  }
0x10: {  	[tilespmem:s15+$0x810 ss:$0x81] =	vst.msk $0xffff, v2;
	s31 =	sand.u32 $0x7, s13;
	s16 =	sor.u32 s17, s16;
	s17 =	sadd.s32 s3, s30  }
0x11: {  	[tilespmem:s15+$0x1020 ss:$0x81] =	vst.msk $0xffff, v0;
	s13 =	sshll.u32 s31, $0x12;
	s12 =	sadd.s32 s12, s17;
	s16 =	sshrl.u32 s16, $0x3  }
0x12: {  	[tilespmem:s15+$0x0 ss:$0x81] =	vst.msk $0xffff, v1;
	s13 =	sor.u32 $0x400, s13;
	s12 =	sadd.s32 s16, s12  }
0x13: {  	[hbm4b:s12+s13] =	stream.strided.scatter [tilespmem:s14], [sflag:$0x2], $0x2000, s8, s13, $0x20;
	[tilespmem:$0x8080] =	vst v63  }
.LBB1_5:
0x14: {  	s14 =	sadd.s32 $0x1, s9  }
0x15: {  	s12 =	sadd.s32 $0x1000, s10;
	s16 =	smov.u32 s10;
	p2 =	sgt.s32 s14, $0x31  }
0x16: {  	s16 =	smov.u32 @p2 s12  }
0x17: {  	s14 =	simm.s32 @p2 $0x0;
	p2 =	sgt.s32 s16, $0xFFF  }
0x18: {  	s16 =	smov.u32 @p2 s2;
	p2 =	sne.s32 s11, s7  }
.Ltmp1:
0x19: {  	p1 =	slt.u32 s11, $0x2;
	(pc) =	sbr.rel @!p2 .LBB1_6-.Ltmp1, $4  }
0x1a: {  	s15 =	simm.s32 @!p1 $0x2  }
0x1b: {  	s13 =	smov.u32 s10;
	p0 =	por !p0, !p0;
	_ =	swait.ge @!p1 [sflag:s15], $0x2000  }
0x1c: {  	s12 =	smov.u32 s9;
	[sflag:s15] =	ssyncset.done @!p1 $0x0;
	s9 =	smov.u32 s14  }
0x1d: {  	s11 =	sadd.s32 $0x1, s11;
	[sflag:s15] =	ssyncadd.s32 @!p1 $0xFFFFE000;
	s10 =	smov.u32 s16  }
.LBB1_1:
0x1e: {  	p1 =	sge.u32 s11, s5  }
0x1f: {  	s14 =	sand.u32 @!p1 $0x1FFFFFF, s9  }
0x20: {  	s15 =	smulhi.u32 @!p1 $0x4924925, s14;
	_ =	sdelay $0x1  }
0x21: {  	s15 =	smul.u32 @!p1 $0x38, s15  }
0x22: {  	s16 =	sxor.u32 @!p1 $0xFFFFFFFF, s11;
	s17 =	smul.u32 @!p1 $0x380, s10  }
0x23: {  	s31 =	sadd.s32 $0xFFFFFFFF, s11;
	s16 =	sshll.u32 @!p1 s16, $0xD;
	s14 =	ssub.s32 @!p1 s14, s15  }
0x24: {  	s15 =	sand.u32 @!p1 $0x2000, s16;
	s16 =	sadd.s32 @!p1 s6, s17;
	s14 =	sshll.u32 @!p1 s14, $0x4  }
0x25: {  	s17 =	simm.s32 @!p1 $0x1C00;
	s14 =	sadd.s32 @!p1 s14, s16;
	s16 =	simm.s32 @!p1 $0x40  }
0x26: {  	[tilespmem:s15], [sflag:$0x1] =	stream.strided.gather @!p1 [hbm4b:s14+s16], $0x2000, s17, s16, $0x38;
	[tilespmem:$0x8080] =	vst v63  }
0x27: {  	p1 =	sge.u32 s31, s5  }
.Ltmp2:
0x28: {  	_ = 	snop;
	(pc) =	sbr.rel @p1 .LBB1_5-.Ltmp2, $1  }
0x29: {  	_ =	sdelay $0x3  }
0x2a: {  	s14 =	simm.s32 $0x1  }
0x2b: {  	_ =	swait.ge [sflag:s4], $0x2000;
	s14 =	simm.s32 @!p0 $0x0  }
0x2c: {  	[sflag:s4] =	ssyncset.done $0x0;
	s15 =	sshll.u32 s14, $0xD  }
0x2d: {  	[sflag:s4] =	ssyncadd.s32 $0xFFFFE000;
	s18 =	sor.u32 $0x20, s15  }
0x2e: {  	s14 =	smul.u32 $0x8100, s14;
	v3 =	vld [tilespmem:s18+$0x10]  }
0x2f: {  	s30 =	sand.u32 $0x1, s11;
	v2 =	vld [tilespmem:s18+$0xFFFFFFF0]  }
0x30: {  	s15 =	smul.u32 $0x8100, s30;
	s14 =	sshrl.u32 s14, $0x2;
	v0 =	vld [tilespmem:s18+$0x0]  }
0x31: {  	v1 =	vld [tilespmem:s18+$0xFFFFFFE0];
	s16 =	sor.u32 $0x4000, s14  }
0x32: {  	s31 =	sshrl.u32 s15, $0x2;
	s15 =	sadd.s32 $0x0, s16  }
0x33: {  	s17 =	simm.s32 $0x4;
	s18 =	sadd.s32 $0x40, s18;
	s14 =	sor.u32 $0x4000, s31;
	[tilespmem:s15+$0x1830 ss:$0x81] =	vst.msk $0xffff, v3  }
.LBB1_3:
0x34: {  	v3 =	vld [tilespmem:s18+$0x10];
	p1 =	sne.s32 s17, $0x1FC;
	[tilespmem:s15+$0x810 ss:$0x81] =	vst.msk $0xffff, v2;
	s19 =	smov.u32 s17;
	s17 =	sadd.s32 $0x4, s17  }
.Ltmp3:
0x35: {  	v2 =	vld [tilespmem:s18+$0xFFFFFFF0];
	[tilespmem:s15+$0x1020 ss:$0x81] =	vst.msk $0xffff, v0;
	(pc) =	sbr.rel @p1 .LBB1_3-.Ltmp3, $4  }
0x36: {  	v0 =	vld [tilespmem:s18+$0x0];
	[tilespmem:s15+$0x0 ss:$0x81] =	vst.msk $0xffff, v1  }
0x37: {  	s15 =	sshra.s32 s19, $0x2;
	v1 =	vld [tilespmem:s18+$0xFFFFFFE0]  }
0x38: {  	s15 =	sadd.s32 s15, s16  }
0x39: {  	s18 =	sadd.s32 $0x40, s18;
	[tilespmem:s15+$0x1830 ss:$0x81] =	vst.msk $0xffff, v3  }
.Ltmp4:
0x3a: {  	_ = 	snop;
	(pc) =	sbr.rel .LBB1_4-.Ltmp4, $1  }
0x3b: {  	_ =	sdelay $0x3  }
.LBB1_6:
0x3c: {  	_ =	sfence.sel $0x180000  }
0x3d: {  	s2 =	simm.s32 $0x1;
	[bflag:$0x0] =	sbarrier.arrive $0xFFFF  }
0x3e: {  	s31 =	simm.s32 $0x2;
	[sflag:s2] =	ssyncpa.u1 $0x1  }
0x3f: {  	[sflag:s31] =	ssyncpa.u1 $0x1  }
0x40: {  	p0 =	sne.s32 s0, $0x0;
	_ =	strace $0x9000004A  }
0x41: {  	s0 =	sadd.s32 @!p0 $0x100000, s1;
	[bflag:$0x2] =	sbarrier.arrive $0xFFFF  }
0x42: {  	[sflag:s0] =	ssyncadd.tile.s32 @!p0 $0x1;
	_ =	shalt  }
.Lfunc_end1:
_tile_overlayer_lowered:
.L_overlay_start_2:
0x43: {  	(tag) =	ssettag $0x2  }
0x44: {  	s0 =	rddreg [dreg:$0x0];
	s2 =	stileid.u32  }
0x45: {  	s1 =	rddreg [dreg:$0x1];
	p0 =	sne.s32 s2, $0x0  }
0x46: {  	s3 =	rddreg [dreg:$0x2];
	[bflag:$0x3] =	sbarrier.arrive $0xFFFF;
	s2 =	simm.s32 @!p0 $0x1C01  }
0x47: {  	[timem:s3], [sflag:s2] =	dma.local @!p0 [hbm:s0], s1  }
0x48: {  	s0 =	simm.s32 @!p0 $0x1  }
0x49: {  	_ =	swait.ge @!p0 [sflag:s0], s1  }
0x4a: {  	s1 =	ssub.s32 @!p0 $0x0, s1;
	[sflag:s0] =	ssyncset.done @!p0 $0x0  }
0x4b: {  	[sflag:s0] =	ssyncadd.s32 @!p0 s1  }
0x4c: {  	[bflag:$0x3] =	sbarrier.arrive $0xFFFF  }
0x4d: {  	_ =	shalt  }

</sc_bundles>
